<compile_context>
chip_gen: v7x
topology: tpu7x:2x2x1
jax: 0.10.2.dev20260603
libtpu: 0.0.44.dev20260713+nightly
codegen_flags: <defaults>
</compile_context>

<pallas_src>
import functools

import jax
import jax.numpy as jnp
from jax import lax
from jax.experimental import pallas as pl
from jax.experimental.pallas import tpu as pltpu
from jax.experimental.pallas import tpu_sc as plsc

NC = 2
NS = 16
NW = NC * NS
L = 16


@functools.lru_cache(maxsize=None)
def _build(B, D, K, N, DW):
    assert B % NW == 0, B
    assert D % L == 0 and DW >= D, D
    assert K % 2 == 0 and (K // 2) <= 128 and K % 8 == 0 and K >= L, K
    bpw = B // NW
    kh = K // 2
    ngroups = (K + L - 1) // L
    kpad = ngroups * L
    ndc = D // L

    mesh = plsc.VectorSubcoreMesh(core_axis_name="c", subcore_axis_name="s")

    @functools.partial(
        pl.kernel,
        mesh=mesh,
        compiler_params=pltpu.CompilerParams(use_tc_tiling_on_sc=True),
        out_type=jax.ShapeDtypeStruct((B, kpad), jnp.float32),
        scratch_types=[
            pltpu.VMEM((bpw, 2, kh), jnp.int32),
            pltpu.VMEM((bpw, D), jnp.float32),
            pltpu.VMEM((2, kpad, DW), jnp.float32),
            pltpu.VMEM((2, kpad), jnp.float32),
            pltpu.SemaphoreType.DMA,
            pltpu.SemaphoreType.DMA,
            pltpu.SemaphoreType.DMA,
            pltpu.SemaphoreType.DMA,
        ],
    )
    def sc_kernel(h_hbm, ids_hbm, w_hbm, out_hbm, idx_v, h_v, emb, out_v,
                  sem0, sem1, semo0, semo1):
        wid = lax.axis_index("s") * NC + lax.axis_index("c")
        base = wid * bpw

        pltpu.sync_copy(ids_hbm.at[pl.ds(base, bpw)], idx_v)
        pltpu.sync_copy(h_hbm.at[pl.ds(base, bpw)], h_v)

        sems = (sem0, sem1)
        semos = (semo0, semo1)

        def fire_out(b, slot):
            pltpu.async_copy(out_v.at[slot], out_hbm.at[base + b],
                             semos[slot])

        def drain_out(slot):
            pltpu.make_async_copy(out_hbm.at[0], out_v.at[slot],
                                  semos[slot]).wait()

        def fire(b, slot):
            pltpu.async_copy(w_hbm.at[idx_v.at[b, 0]],
                             emb.at[slot, pl.ds(0, kh)], sems[slot])
            pltpu.async_copy(w_hbm.at[idx_v.at[b, 1]],
                             emb.at[slot, pl.ds(kh, kh)], sems[slot])

        def drain(slot):
            pltpu.make_async_copy(w_hbm.at[pl.ds(0, K)],
                                  emb.at[slot, pl.ds(0, K)],
                                  sems[slot]).wait()

        lane = lax.iota(jnp.int32, L)
        perms = [lane ^ (1 << i) for i in range(4)]
        masks = [(lane & (1 << i)) == 0 for i in range(4)]

        dnums = lax.GatherDimensionNumbers(
            offset_dims=(), collapsed_slice_dims=(0,), start_index_map=(0,))

        def shuffle(x, perm):
            return lax.gather(x, perm[:, None], dimension_numbers=dnums,
                              slice_sizes=(1,),
                              mode=lax.GatherScatterMode.PROMISE_IN_BOUNDS)

        def combine(x, y, lvl):
            a = jnp.where(masks[lvl], x, y)
            b = jnp.where(masks[lvl], y, x)
            return a + shuffle(b, perms[lvl])

        def compute_row(b, slot):
            hc = [h_v[b, pl.ds(c * L, L)] for c in range(ndc)]

            def group(g, carry):
                kb = pl.multiple_of(g * L, L)
                ps = []
                for j in range(L):
                    p = hc[0] * emb[slot, kb + j, pl.ds(0, L)]
                    for c in range(1, ndc):
                        p = p + hc[c] * emb[slot, kb + j, pl.ds(c * L, L)]
                    ps.append(p)
                for lvl in range(4):
                    ps = [combine(ps[2 * i], ps[2 * i + 1], lvl)
                          for i in range(len(ps) // 2)]
                out_v[slot, pl.ds(kb, L)] = ps[0]
                return carry

            lax.fori_loop(0, ngroups, group, 0)

        fire(0, 0)

        def body(t, carry):
            b = 2 * t
            fire(b + 1, 1)
            drain(0)

            @pl.when(t > 0)
            def _():
                drain_out(0)

            compute_row(b, 0)
            fire_out(b, 0)

            @pl.when(t < bpw // 2 - 1)
            def _():
                fire(b + 2, 0)

            drain(1)

            @pl.when(t > 0)
            def _():
                drain_out(1)

            compute_row(b + 1, 1)
            fire_out(b + 1, 1)
            return carry

        lax.fori_loop(0, bpw // 2, body, 0)
        drain_out(0)
        drain_out(1)

    return sc_kernel


def kernel(h, cand_ids, W):
    B, D = h.shape
    K = cand_ids.shape[1]
    N = W.shape[0]
    ids3 = cand_ids.astype(jnp.int32).reshape(B, 2, K // 2)
    wp = jnp.pad(W, ((0, 0), (0, 128 - D)))
    return _build(B, D, K, N, 128)(h, ids3, wp)[:, :K]

# --- scband reference (transcript-rebuilt; emitter-appended) ---
"""Pipeline reference for scband-reranker-head-56530359550038 (READ-ONLY COPY).

The authoritative reference and input builder live on the scoring server;
editing this copy changes nothing except your own understanding.
"""

import jax, jax.numpy as jnp
import numpy as np

NUM_CLASSES = 1000000
HIDDEN = 64
BATCH = 4096
K = 200

def setup_inputs(seed: int = 0) -> dict:
    key = jax.random.key(seed)
    k1, k2, k3 = jax.random.split(key, 3)
    h = jax.random.normal(k1, (BATCH, HIDDEN), dtype=jnp.float32)
    cand_ids = jax.random.randint(k2, (BATCH, K), 0, NUM_CLASSES, dtype=jnp.int64 if jax.config.jax_enable_x64 else jnp.int32)
    W = jax.random.normal(k3, (NUM_CLASSES, HIDDEN), dtype=jnp.float32) * 0.02
    return {"h": h, "cand_ids": cand_ids, "W": W}

def reference(h, cand_ids, W):
    # emb = self.W(cand_ids): embedding gather -> [B, K, D]
    emb = jnp.take(W, cand_ids, axis=0)
    # logits = einsum('bd,bkd->bk', h, emb)
    logits = jnp.einsum('bd,bkd->bk', h, emb)
    return logits

if __name__ == "__main__":
    import jax
    _d = setup_inputs()
    print(jax.jit(kernel)(*tuple(_d.values())))

</pallas_src>

<mosaic_0001>
#map = affine_map<(d0, d1) -> (0, 0)>
#map1 = affine_map<(d0, d1) -> (0, 0, 0)>
module attributes {stable_mosaic.version = 14 : i64} {
  func.func @sc_kernel(%arg0: i32, %arg1: i32, %arg2: memref<4096x64xf32, #tpu.memory_space<hbm>>, %arg3: memref<4096x2x100xi32, #tpu.memory_space<hbm>>, %arg4: memref<1000000x128xf32, #tpu.memory_space<hbm>>, %arg5: memref<4096x208xf32, #tpu.memory_space<hbm>>, %arg6: memref<128x2x100xi32, #tpu.memory_space<vmem>>, %arg7: memref<128x64xf32, #tpu.memory_space<vmem>>, %arg8: memref<2x208x128xf32, #tpu.memory_space<vmem>>, %arg9: memref<2x208xf32, #tpu.memory_space<vmem>>, %arg10: memref<!tpu.dma_semaphore, #tpu.memory_space<semaphore_mem>>, %arg11: memref<!tpu.dma_semaphore, #tpu.memory_space<semaphore_mem>>, %arg12: memref<!tpu.dma_semaphore, #tpu.memory_space<semaphore_mem>>, %arg13: memref<!tpu.dma_semaphore, #tpu.memory_space<semaphore_mem>>) attributes {dimension_semantics = [#tpu.dimension_semantics<core_parallel>, #tpu.dimension_semantics<subcore_parallel>], iteration_bounds = array<i64: 2, 16>, scalar_prefetch = 0 : i64, scratch_operands = 8 : i64, tpu.core_type = #tpu.core_type<sc_vector_subcore>, window_params = [{transform_indices = #map}, {transform_indices = #map1}, {transform_indices = #map}, {transform_indices = #map}]} {
    %mul3A = arith.constant 2 : i32
    %mul3A_0 = arith.muli %arg1, %mul3A : i32
    %add3A = arith.addi %mul3A_0, %arg0 : i32
    %mul3A_1 = arith.constant 128 : i32
    %mul3A_2 = arith.muli %add3A, %mul3A_1 : i32
    "tpu.region"() ({
      %run_scoped3A = tpu.sem_alloc : memref<!tpu.dma_semaphore, #tpu.memory_space<semaphore_mem>>
      %dma_start3A_93 = arith.constant 0 : i32
      %dma_start3A_94 = arith.constant 0 : i32
      %dma_start3A_95 = tpu.memref_slice %arg3[%mul3A_2, %dma_start3A_93, %dma_start3A_94] : memref<4096x2x100xi32, #tpu.memory_space<hbm>> -> memref<128x2x100xi32, #tpu.memory_space<hbm>>
      %dma_start3A_96 = arith.constant 0 : i32
      %dma_start3A_97 = arith.constant 0 : i32
      %dma_start3A_98 = tpu.memref_slice %arg3[%mul3A_2, %dma_start3A_96, %dma_start3A_97] : memref<4096x2x100xi32, #tpu.memory_space<hbm>> -> memref<128x2x100xi32, #tpu.memory_space<hbm>>
      tpu.enqueue_dma source(%dma_start3A_98 : memref<128x2x100xi32, #tpu.memory_space<hbm>>) target(%arg6 : memref<128x2x100xi32, #tpu.memory_space<vmem>>) target_semaphore(%run_scoped3A : memref<!tpu.dma_semaphore, #tpu.memory_space<semaphore_mem>>)
      %dma_wait3A_99 = arith.constant 0 : i32
      %dma_wait3A_100 = arith.constant 0 : i32
      %dma_wait3A_101 = tpu.memref_slice %arg3[%mul3A_2, %dma_wait3A_99, %dma_wait3A_100] : memref<4096x2x100xi32, #tpu.memory_space<hbm>> -> memref<128x2x100xi32, #tpu.memory_space<hbm>>
      %dma_wait3A_102 = arith.constant 0 : i32
      %dma_wait3A_103 = arith.constant 0 : i32
      %dma_wait3A_104 = tpu.memref_slice %arg3[%mul3A_2, %dma_wait3A_102, %dma_wait3A_103] : memref<4096x2x100xi32, #tpu.memory_space<hbm>> -> memref<128x2x100xi32, #tpu.memory_space<hbm>>
      tpu.wait_dma2 semaphore(%run_scoped3A : memref<!tpu.dma_semaphore, #tpu.memory_space<semaphore_mem>>) src(%dma_wait3A_104 : memref<128x2x100xi32, #tpu.memory_space<hbm>>) dst(%arg6 : memref<128x2x100xi32, #tpu.memory_space<vmem>>)
      tpu.yield
    }) : () -> ()
    "tpu.region"() ({
      %run_scoped3A = tpu.sem_alloc : memref<!tpu.dma_semaphore, #tpu.memory_space<semaphore_mem>>
      %dma_start3A_93 = arith.constant 0 : i32
      %dma_start3A_94 = tpu.memref_slice %arg2[%mul3A_2, %dma_start3A_93] : memref<4096x64xf32, #tpu.memory_space<hbm>> -> memref<128x64xf32, #tpu.memory_space<hbm>>
      %dma_start3A_95 = arith.constant 0 : i32
      %dma_start3A_96 = tpu.memref_slice %arg2[%mul3A_2, %dma_start3A_95] : memref<4096x64xf32, #tpu.memory_space<hbm>> -> memref<128x64xf32, #tpu.memory_space<hbm>>
      tpu.enqueue_dma source(%dma_start3A_96 : memref<128x64xf32, #tpu.memory_space<hbm>>) target(%arg7 : memref<128x64xf32, #tpu.memory_space<vmem>>) target_semaphore(%run_scoped3A : memref<!tpu.dma_semaphore, #tpu.memory_space<semaphore_mem>>)
      %dma_wait3A_97 = arith.constant 0 : i32
      %dma_wait3A_98 = tpu.memref_slice %arg2[%mul3A_2, %dma_wait3A_97] : memref<4096x64xf32, #tpu.memory_space<hbm>> -> memref<128x64xf32, #tpu.memory_space<hbm>>
      %dma_wait3A_99 = arith.constant 0 : i32
      %dma_wait3A_100 = tpu.memref_slice %arg2[%mul3A_2, %dma_wait3A_99] : memref<4096x64xf32, #tpu.memory_space<hbm>> -> memref<128x64xf32, #tpu.memory_space<hbm>>
      tpu.wait_dma2 semaphore(%run_scoped3A : memref<!tpu.dma_semaphore, #tpu.memory_space<semaphore_mem>>) src(%dma_wait3A_100 : memref<128x64xf32, #tpu.memory_space<hbm>>) dst(%arg7 : memref<128x64xf32, #tpu.memory_space<vmem>>)
      tpu.yield
    }) : () -> ()
    %iota3A = tpu.iota {dimensions = array<i32: 0>} : vector<16xi32>
    %xor3A = arith.constant 1 : i32
    %xor3A_3 = vector.broadcast %xor3A : i32 to vector<16xi32>
    %xor3A_4 = arith.xori %iota3A, %xor3A_3 : vector<16xi32>
    %xor3A_5 = arith.constant 2 : i32
    %xor3A_6 = vector.broadcast %xor3A_5 : i32 to vector<16xi32>
    %xor3A_7 = arith.xori %iota3A, %xor3A_6 : vector<16xi32>
    %xor3A_8 = arith.constant 4 : i32
    %xor3A_9 = vector.broadcast %xor3A_8 : i32 to vector<16xi32>
    %xor3A_10 = arith.xori %iota3A, %xor3A_9 : vector<16xi32>
    %xor3A_11 = arith.constant 8 : i32
    %xor3A_12 = vector.broadcast %xor3A_11 : i32 to vector<16xi32>
    %xor3A_13 = arith.xori %iota3A, %xor3A_12 : vector<16xi32>
    %and3A = arith.constant 1 : i32
    %and3A_14 = vector.broadcast %and3A : i32 to vector<16xi32>
    %and3A_15 = arith.andi %iota3A, %and3A_14 : vector<16xi32>
    %eq3A = arith.constant 0 : i32
    %eq3A_16 = vector.broadcast %eq3A : i32 to vector<16xi32>
    %eq3A_17 = arith.cmpi eq, %and3A_15, %eq3A_16 : vector<16xi32>
    %and3A_18 = arith.constant 2 : i32
    %and3A_19 = vector.broadcast %and3A_18 : i32 to vector<16xi32>
    %and3A_20 = arith.andi %iota3A, %and3A_19 : vector<16xi32>
    %eq3A_21 = arith.constant 0 : i32
    %eq3A_22 = vector.broadcast %eq3A_21 : i32 to vector<16xi32>
    %eq3A_23 = arith.cmpi eq, %and3A_20, %eq3A_22 : vector<16xi32>
    %and3A_24 = arith.constant 4 : i32
    %and3A_25 = vector.broadcast %and3A_24 : i32 to vector<16xi32>
    %and3A_26 = arith.andi %iota3A, %and3A_25 : vector<16xi32>
    %eq3A_27 = arith.constant 0 : i32
    %eq3A_28 = vector.broadcast %eq3A_27 : i32 to vector<16xi32>
    %eq3A_29 = arith.cmpi eq, %and3A_26, %eq3A_28 : vector<16xi32>
    %and3A_30 = arith.constant 8 : i32
    %and3A_31 = vector.broadcast %and3A_30 : i32 to vector<16xi32>
    %and3A_32 = arith.andi %iota3A, %and3A_31 : vector<16xi32>
    %eq3A_33 = arith.constant 0 : i32
    %eq3A_34 = vector.broadcast %eq3A_33 : i32 to vector<16xi32>
    %eq3A_35 = arith.cmpi eq, %and3A_32, %eq3A_34 : vector<16xi32>
    %dma_start3A = arith.constant 0 : i32
    %dma_start3A_36 = arith.constant 0 : i32
    %dma_start3A_37 = arith.constant 0 : i32
    %dma_start3A_38 = arith.constant 0 : i32
    %dma_start3A_39 = arith.constant 0 : i32
    %dma_start3A_40 = tpu.memref_slice %arg8[%dma_start3A_37, %dma_start3A_38, %dma_start3A_39] : memref<2x208x128xf32, #tpu.memory_space<vmem>> -> memref<1x100x128xf32, #tpu.memory_space<vmem>>
    %dma_start3A_41 = tpu.memref_squeeze %dma_start3A_40 : memref<1x100x128xf32, #tpu.memory_space<vmem>> -> memref<100x128xf32, #tpu.memory_space<vmem>>
    %dma_start3A_42 = arith.constant 0 : i32
    %dma_start3A_43 = tpu.memref_slice %arg6[%dma_start3A, %dma_start3A_36, %dma_start3A_42] : memref<128x2x100xi32, #tpu.memory_space<vmem>> -> memref<1x1x100xi32, #tpu.memory_space<vmem>>
    %dma_start3A_44 = tpu.memref_squeeze %dma_start3A_43 : memref<1x1x100xi32, #tpu.memory_space<vmem>> -> memref<100xi32, #tpu.memory_space<vmem>>
    %dma_start3A_45 = arith.constant 0 : i32
    %dma_start3A_46 = arith.constant 0 : i32
    %dma_start3A_47 = tpu.memref_slice %arg4[%dma_start3A_45, %dma_start3A_46] : memref<1000000x128xf32, #tpu.memory_space<hbm>> -> memref<1000000x128xf32, #tpu.memory_space<hbm>>
    tpu.enqueue_indirect_dma source(%dma_start3A_47 : memref<1000000x128xf32, #tpu.memory_space<hbm>>) target(%dma_start3A_41 : memref<100x128xf32, #tpu.memory_space<vmem>>) offsets(%dma_start3A_44 : memref<100xi32, #tpu.memory_space<vmem>>) semaphore(%arg10 : memref<!tpu.dma_semaphore, #tpu.memory_space<semaphore_mem>>)
    %dma_start3A_48 = arith.constant 0 : i32
    %dma_start3A_49 = arith.constant 1 : i32
    %dma_start3A_50 = arith.constant 0 : i32
    %dma_start3A_51 = arith.constant 100 : i32
    %dma_start3A_52 = arith.constant 0 : i32
    %dma_start3A_53 = tpu.memref_slice %arg8[%dma_start3A_50, %dma_start3A_51, %dma_start3A_52] : memref<2x208x128xf32, #tpu.memory_space<vmem>> -> memref<1x100x128xf32, #tpu.memory_space<vmem>>
    %dma_start3A_54 = tpu.memref_squeeze %dma_start3A_53 : memref<1x100x128xf32, #tpu.memory_space<vmem>> -> memref<100x128xf32, #tpu.memory_space<vmem>>
    %dma_start3A_55 = arith.constant 0 : i32
    %dma_start3A_56 = tpu.memref_slice %arg6[%dma_start3A_48, %dma_start3A_49, %dma_start3A_55] : memref<128x2x100xi32, #tpu.memory_space<vmem>> -> memref<1x1x100xi32, #tpu.memory_space<vmem>>
    %dma_start3A_57 = tpu.memref_squeeze %dma_start3A_56 : memref<1x1x100xi32, #tpu.memory_space<vmem>> -> memref<100xi32, #tpu.memory_space<vmem>>
    %dma_start3A_58 = arith.constant 0 : i32
    %dma_start3A_59 = arith.constant 0 : i32
    %dma_start3A_60 = tpu.memref_slice %arg4[%dma_start3A_58, %dma_start3A_59] : memref<1000000x128xf32, #tpu.memory_space<hbm>> -> memref<1000000x128xf32, #tpu.memory_space<hbm>>
    tpu.enqueue_indirect_dma source(%dma_start3A_60 : memref<1000000x128xf32, #tpu.memory_space<hbm>>) target(%dma_start3A_54 : memref<100x128xf32, #tpu.memory_space<vmem>>) offsets(%dma_start3A_57 : memref<100xi32, #tpu.memory_space<vmem>>) semaphore(%arg10 : memref<!tpu.dma_semaphore, #tpu.memory_space<semaphore_mem>>)
    %scan3A = arith.constant 0 : i32
    %scan3A_61 = arith.constant 0 : i32
    %scan3A_62 = arith.constant 64 : i32
    %scan3A_63 = arith.addi %scan3A_61, %scan3A_62 : i32
    %scan3A_64 = arith.constant 1 : i32
    scf.for %scan3A_93 = %scan3A_61 to %scan3A_63 step %scan3A_64  : i32 {
      %mul3A_94 = arith.constant 2 : i32
      %mul3A_95 = arith.muli %mul3A_94, %scan3A_93 : i32
      %add3A_96 = arith.constant 1 : i32
      %add3A_97 = arith.addi %mul3A_95, %add3A_96 : i32
      %dma_start3A_98 = arith.constant 0 : i32
      %dma_start3A_99 = arith.constant 1 : i32
      %dma_start3A_100 = arith.constant 0 : i32
      %dma_start3A_101 = arith.constant 0 : i32
      %dma_start3A_102 = tpu.memref_slice %arg8[%dma_start3A_99, %dma_start3A_100, %dma_start3A_101] : memref<2x208x128xf32, #tpu.memory_space<vmem>> -> memref<1x100x128xf32, #tpu.memory_space<vmem>>
      %dma_start3A_103 = tpu.memref_squeeze %dma_start3A_102 : memref<1x100x128xf32, #tpu.memory_space<vmem>> -> memref<100x128xf32, #tpu.memory_space<vmem>>
      %dma_start3A_104 = arith.constant 0 : i32
      %dma_start3A_105 = tpu.memref_slice %arg6[%add3A_97, %dma_start3A_98, %dma_start3A_104] : memref<128x2x100xi32, #tpu.memory_space<vmem>> -> memref<1x1x100xi32, #tpu.memory_space<vmem>>
      %dma_start3A_106 = tpu.memref_squeeze %dma_start3A_105 : memref<1x1x100xi32, #tpu.memory_space<vmem>> -> memref<100xi32, #tpu.memory_space<vmem>>
      %dma_start3A_107 = arith.constant 0 : i32
      %dma_start3A_108 = arith.constant 0 : i32
      %dma_start3A_109 = tpu.memref_slice %arg4[%dma_start3A_107, %dma_start3A_108] : memref<1000000x128xf32, #tpu.memory_space<hbm>> -> memref<1000000x128xf32, #tpu.memory_space<hbm>>
      tpu.enqueue_indirect_dma source(%dma_start3A_109 : memref<1000000x128xf32, #tpu.memory_space<hbm>>) target(%dma_start3A_103 : memref<100x128xf32, #tpu.memory_space<vmem>>) offsets(%dma_start3A_106 : memref<100xi32, #tpu.memory_space<vmem>>) semaphore(%arg11 : memref<!tpu.dma_semaphore, #tpu.memory_space<semaphore_mem>>)
      %dma_start3A_110 = arith.constant 1 : i32
      %dma_start3A_111 = arith.constant 1 : i32
      %dma_start3A_112 = arith.constant 100 : i32
      %dma_start3A_113 = arith.constant 0 : i32
      %dma_start3A_114 = tpu.memref_slice %arg8[%dma_start3A_111, %dma_start3A_112, %dma_start3A_113] : memref<2x208x128xf32, #tpu.memory_space<vmem>> -> memref<1x100x128xf32, #tpu.memory_space<vmem>>
      %dma_start3A_115 = tpu.memref_squeeze %dma_start3A_114 : memref<1x100x128xf32, #tpu.memory_space<vmem>> -> memref<100x128xf32, #tpu.memory_space<vmem>>
      %dma_start3A_116 = arith.constant 0 : i32
      %dma_start3A_117 = tpu.memref_slice %arg6[%add3A_97, %dma_start3A_110, %dma_start3A_116] : memref<128x2x100xi32, #tpu.memory_space<vmem>> -> memref<1x1x100xi32, #tpu.memory_space<vmem>>
      %dma_start3A_118 = tpu.memref_squeeze %dma_start3A_117 : memref<1x1x100xi32, #tpu.memory_space<vmem>> -> memref<100xi32, #tpu.memory_space<vmem>>
      %dma_start3A_119 = arith.constant 0 : i32
      %dma_start3A_120 = arith.constant 0 : i32
      %dma_start3A_121 = tpu.memref_slice %arg4[%dma_start3A_119, %dma_start3A_120] : memref<1000000x128xf32, #tpu.memory_space<hbm>> -> memref<1000000x128xf32, #tpu.memory_space<hbm>>
      tpu.enqueue_indirect_dma source(%dma_start3A_121 : memref<1000000x128xf32, #tpu.memory_space<hbm>>) target(%dma_start3A_115 : memref<100x128xf32, #tpu.memory_space<vmem>>) offsets(%dma_start3A_118 : memref<100xi32, #tpu.memory_space<vmem>>) semaphore(%arg11 : memref<!tpu.dma_semaphore, #tpu.memory_space<semaphore_mem>>)
      %dma_wait3A_122 = arith.constant 0 : i32
      %dma_wait3A_123 = arith.constant 0 : i32
      %dma_wait3A_124 = arith.constant 0 : i32
      %dma_wait3A_125 = tpu.memref_slice %arg8[%dma_wait3A_122, %dma_wait3A_123, %dma_wait3A_124] : memref<2x208x128xf32, #tpu.memory_space<vmem>> -> memref<1x200x128xf32, #tpu.memory_space<vmem>>
      %dma_wait3A_126 = tpu.memref_squeeze %dma_wait3A_125 : memref<1x200x128xf32, #tpu.memory_space<vmem>> -> memref<200x128xf32, #tpu.memory_space<vmem>>
      %dma_wait3A_127 = arith.constant 0 : i32
      %dma_wait3A_128 = arith.constant 0 : i32
      %dma_wait3A_129 = tpu.memref_slice %arg4[%dma_wait3A_127, %dma_wait3A_128] : memref<1000000x128xf32, #tpu.memory_space<hbm>> -> memref<200x128xf32, #tpu.memory_space<hbm>>
      %dma_wait3A_130 = arith.constant 0 : i32
      %dma_wait3A_131 = arith.constant 0 : i32
      %dma_wait3A_132 = tpu.memref_slice %arg8[%dma_wait3A_122, %dma_wait3A_130, %dma_wait3A_131] : memref<2x208x128xf32, #tpu.memory_space<vmem>> -> memref<1x200x128xf32, #tpu.memory_space<vmem>>
      %dma_wait3A_133 = tpu.memref_squeeze %dma_wait3A_132 : memref<1x200x128xf32, #tpu.memory_space<vmem>> -> memref<200x128xf32, #tpu.memory_space<vmem>>
      %dma_wait3A_134 = arith.constant 0 : i32
      %dma_wait3A_135 = arith.constant 0 : i32
      %dma_wait3A_136 = tpu.memref_slice %arg4[%dma_wait3A_134, %dma_wait3A_135] : memref<1000000x128xf32, #tpu.memory_space<hbm>> -> memref<200x128xf32, #tpu.memory_space<hbm>>
      tpu.wait_dma2 semaphore(%arg10 : memref<!tpu.dma_semaphore, #tpu.memory_space<semaphore_mem>>) src(%dma_wait3A_136 : memref<200x128xf32, #tpu.memory_space<hbm>>) dst(%dma_wait3A_133 : memref<200x128xf32, #tpu.memory_space<vmem>>)
      %gt3A = arith.constant 0 : i32
      %gt3A_137 = arith.cmpi sgt, %scan3A_93, %gt3A : i32
      %convert_element_type3A = arith.extui %gt3A_137 : i1 to i32
      %cond3A = arith.constant 0 : i32
      %cond3A_138 = arith.cmpi ne, %convert_element_type3A, %cond3A : i32
      scf.if %cond3A_138 {
        %dma_wait3A_238 = arith.constant 0 : i32
        %dma_wait3A_239 = arith.constant 0 : i32
        %dma_wait3A_240 = arith.constant 0 : i32
        %dma_wait3A_241 = tpu.memref_slice %arg9[%dma_wait3A_239, %dma_wait3A_240] : memref<2x208xf32, #tpu.memory_space<vmem>> -> memref<1x208xf32, #tpu.memory_space<vmem>>
        %dma_wait3A_242 = tpu.memref_squeeze %dma_wait3A_241 : memref<1x208xf32, #tpu.memory_space<vmem>> -> memref<208xf32, #tpu.memory_space<vmem>>
        %dma_wait3A_243 = arith.constant 0 : i32
        %dma_wait3A_244 = tpu.memref_slice %arg5[%dma_wait3A_238, %dma_wait3A_243] : memref<4096x208xf32, #tpu.memory_space<hbm>> -> memref<1x208xf32, #tpu.memory_space<hbm>>
        %dma_wait3A_245 = tpu.memref_squeeze %dma_wait3A_244 : memref<1x208xf32, #tpu.memory_space<hbm>> -> memref<208xf32, #tpu.memory_space<hbm>>
        %dma_wait3A_246 = arith.constant 0 : i32
        %dma_wait3A_247 = tpu.memref_slice %arg9[%dma_wait3A_239, %dma_wait3A_246] : memref<2x208xf32, #tpu.memory_space<vmem>> -> memref<1x208xf32, #tpu.memory_space<vmem>>
        %dma_wait3A_248 = tpu.memref_squeeze %dma_wait3A_247 : memref<1x208xf32, #tpu.memory_space<vmem>> -> memref<208xf32, #tpu.memory_space<vmem>>
        %dma_wait3A_249 = arith.constant 0 : i32
        %dma_wait3A_250 = tpu.memref_slice %arg5[%dma_wait3A_238, %dma_wait3A_249] : memref<4096x208xf32, #tpu.memory_space<hbm>> -> memref<1x208xf32, #tpu.memory_space<hbm>>
        %dma_wait3A_251 = tpu.memref_squeeze %dma_wait3A_250 : memref<1x208xf32, #tpu.memory_space<hbm>> -> memref<208xf32, #tpu.memory_space<hbm>>
        tpu.wait_dma2 semaphore(%arg12 : memref<!tpu.dma_semaphore, #tpu.memory_space<semaphore_mem>>) src(%dma_wait3A_251 : memref<208xf32, #tpu.memory_space<hbm>>) dst(%dma_wait3A_248 : memref<208xf32, #tpu.memory_space<vmem>>)
      } else {
      }
      %get3A = arith.index_cast %mul3A_95 : i32 to index
      %get3A_139 = arith.constant 0 : index
      %get3A_140 = tpu.vector_load %arg7[%get3A, %get3A_139] {strides = array<i32>} : memref<128x64xf32, #tpu.memory_space<vmem>>, vector<1x16xf32>,
      %get3A_141 = vector.shape_cast %get3A_140 : vector<1x16xf32> to vector<16xf32>
      %get3A_142 = arith.index_cast %mul3A_95 : i32 to index
      %get3A_143 = arith.constant 16 : index
      %get3A_144 = tpu.vector_load %arg7[%get3A_142, %get3A_143] {strides = array<i32>} : memref<128x64xf32, #tpu.memory_space<vmem>>, vector<1x16xf32>,
      %get3A_145 = vector.shape_cast %get3A_144 : vector<1x16xf32> to vector<16xf32>
      %get3A_146 = arith.index_cast %mul3A_95 : i32 to index
      %get3A_147 = arith.constant 32 : index
      %get3A_148 = tpu.vector_load %arg7[%get3A_146, %get3A_147] {strides = array<i32>} : memref<128x64xf32, #tpu.memory_space<vmem>>, vector<1x16xf32>,
      %get3A_149 = vector.shape_cast %get3A_148 : vector<1x16xf32> to vector<16xf32>
      %get3A_150 = arith.index_cast %mul3A_95 : i32 to index
      %get3A_151 = arith.constant 48 : index
      %get3A_152 = tpu.vector_load %arg7[%get3A_150, %get3A_151] {strides = array<i32>} : memref<128x64xf32, #tpu.memory_space<vmem>>, vector<1x16xf32>,
      %get3A_153 = vector.shape_cast %get3A_152 : vector<1x16xf32> to vector<16xf32>
      %scan3A_154 = arith.constant 0 : i32
      %scan3A_155 = arith.constant 0 : i32
      %scan3A_156 = arith.constant 13 : i32
      %scan3A_157 = arith.addi %scan3A_155, %scan3A_156 : i32
      %scan3A_158 = arith.constant 1 : i32
      scf.for %scan3A_238 = %scan3A_155 to %scan3A_157 step %scan3A_158  : i32 {
        %mul3A_239 = arith.constant 16 : i32
        %mul3A_240 = arith.muli %scan3A_238, %mul3A_239 : i32
        %multiple_of3A = tpu.assume_multiple %mul3A_240, 16 : i32
        %add3A_241 = arith.constant 0 : i32
        %add3A_242 = arith.addi %multiple_of3A, %add3A_241 : i32
        %get3A_243 = arith.constant 0 : i32
        %get3A_244 = arith.index_cast %get3A_243 : i32 to index
        %get3A_245 = arith.index_cast %add3A_242 : i32 to index
        %get3A_246 = arith.constant 0 : index
        %get3A_247 = tpu.vector_load %arg8[%get3A_244, %get3A_245, %get3A_246] {strides = array<i32>} : memref<2x208x128xf32, #tpu.memory_space<vmem>>, vector<1x1x16xf32>,
        %get3A_248 = vector.shape_cast %get3A_247 : vector<1x1x16xf32> to vector<16xf32>
        %mul3A_249 = arith.mulf %get3A_141, %get3A_248 : vector<16xf32>
        %add3A_250 = arith.constant 0 : i32
        %add3A_251 = arith.addi %multiple_of3A, %add3A_250 : i32
        %get3A_252 = arith.constant 0 : i32
        %get3A_253 = arith.index_cast %get3A_252 : i32 to index
        %get3A_254 = arith.index_cast %add3A_251 : i32 to index
        %get3A_255 = arith.constant 16 : index
        %get3A_256 = tpu.vector_load %arg8[%get3A_253, %get3A_254, %get3A_255] {strides = array<i32>} : memref<2x208x128xf32, #tpu.memory_space<vmem>>, vector<1x1x16xf32>,
        %get3A_257 = vector.shape_cast %get3A_256 : vector<1x1x16xf32> to vector<16xf32>
        %mul3A_258 = arith.mulf %get3A_145, %get3A_257 : vector<16xf32>
        %add3A_259 = arith.addf %mul3A_249, %mul3A_258 : vector<16xf32>
        %add3A_260 = arith.constant 0 : i32
        %add3A_261 = arith.addi %multiple_of3A, %add3A_260 : i32
        %get3A_262 = arith.constant 0 : i32
        %get3A_263 = arith.index_cast %get3A_262 : i32 to index
        %get3A_264 = arith.index_cast %add3A_261 : i32 to index
        %get3A_265 = arith.constant 32 : index
        %get3A_266 = tpu.vector_load %arg8[%get3A_263, %get3A_264, %get3A_265] {strides = array<i32>} : memref<2x208x128xf32, #tpu.memory_space<vmem>>, vector<1x1x16xf32>,
        %get3A_267 = vector.shape_cast %get3A_266 : vector<1x1x16xf32> to vector<16xf32>
        %mul3A_268 = arith.mulf %get3A_149, %get3A_267 : vector<16xf32>
        %add3A_269 = arith.addf %add3A_259, %mul3A_268 : vector<16xf32>
        %add3A_270 = arith.constant 0 : i32
        %add3A_271 = arith.addi %multiple_of3A, %add3A_270 : i32
        %get3A_272 = arith.constant 0 : i32
        %get3A_273 = arith.index_cast %get3A_272 : i32 to index
        %get3A_274 = arith.index_cast %add3A_271 : i32 to index
        %get3A_275 = arith.constant 48 : index
        %get3A_276 = tpu.vector_load %arg8[%get3A_273, %get3A_274, %get3A_275] {strides = array<i32>} : memref<2x208x128xf32, #tpu.memory_space<vmem>>, vector<1x1x16xf32>,
        %get3A_277 = vector.shape_cast %get3A_276 : vector<1x1x16xf32> to vector<16xf32>
        %mul3A_278 = arith.mulf %get3A_153, %get3A_277 : vector<16xf32>
        %add3A_279 = arith.addf %add3A_269, %mul3A_278 : vector<16xf32>
        %add3A_280 = arith.constant 1 : i32
        %add3A_281 = arith.addi %multiple_of3A, %add3A_280 : i32
        %get3A_282 = arith.constant 0 : i32
        %get3A_283 = arith.index_cast %get3A_282 : i32 to index
        %get3A_284 = arith.index_cast %add3A_281 : i32 to index
        %get3A_285 = arith.constant 0 : index
        %get3A_286 = tpu.vector_load %arg8[%get3A_283, %get3A_284, %get3A_285] {strides = array<i32>} : memref<2x208x128xf32, #tpu.memory_space<vmem>>, vector<1x1x16xf32>,
        %get3A_287 = vector.shape_cast %get3A_286 : vector<1x1x16xf32> to vector<16xf32>
        %mul3A_288 = arith.mulf %get3A_141, %get3A_287 : vector<16xf32>
        %add3A_289 = arith.constant 1 : i32
        %add3A_290 = arith.addi %multiple_of3A, %add3A_289 : i32
        %get3A_291 = arith.constant 0 : i32
        %get3A_292 = arith.index_cast %get3A_291 : i32 to index
        %get3A_293 = arith.index_cast %add3A_290 : i32 to index
        %get3A_294 = arith.constant 16 : index
        %get3A_295 = tpu.vector_load %arg8[%get3A_292, %get3A_293, %get3A_294] {strides = array<i32>} : memref<2x208x128xf32, #tpu.memory_space<vmem>>, vector<1x1x16xf32>,
        %get3A_296 = vector.shape_cast %get3A_295 : vector<1x1x16xf32> to vector<16xf32>
        %mul3A_297 = arith.mulf %get3A_145, %get3A_296 : vector<16xf32>
        %add3A_298 = arith.addf %mul3A_288, %mul3A_297 : vector<16xf32>
        %add3A_299 = arith.constant 1 : i32
        %add3A_300 = arith.addi %multiple_of3A, %add3A_299 : i32
        %get3A_301 = arith.constant 0 : i32
        %get3A_302 = arith.index_cast %get3A_301 : i32 to index
        %get3A_303 = arith.index_cast %add3A_300 : i32 to index
        %get3A_304 = arith.constant 32 : index
        %get3A_305 = tpu.vector_load %arg8[%get3A_302, %get3A_303, %get3A_304] {strides = array<i32>} : memref<2x208x128xf32, #tpu.memory_space<vmem>>, vector<1x1x16xf32>,
        %get3A_306 = vector.shape_cast %get3A_305 : vector<1x1x16xf32> to vector<16xf32>
        %mul3A_307 = arith.mulf %get3A_149, %get3A_306 : vector<16xf32>
        %add3A_308 = arith.addf %add3A_298, %mul3A_307 : vector<16xf32>
        %add3A_309 = arith.constant 1 : i32
        %add3A_310 = arith.addi %multiple_of3A, %add3A_309 : i32
        %get3A_311 = arith.constant 0 : i32
        %get3A_312 = arith.index_cast %get3A_311 : i32 to index
        %get3A_313 = arith.index_cast %add3A_310 : i32 to index
        %get3A_314 = arith.constant 48 : index
        %get3A_315 = tpu.vector_load %arg8[%get3A_312, %get3A_313, %get3A_314] {strides = array<i32>} : memref<2x208x128xf32, #tpu.memory_space<vmem>>, vector<1x1x16xf32>,
        %get3A_316 = vector.shape_cast %get3A_315 : vector<1x1x16xf32> to vector<16xf32>
        %mul3A_317 = arith.mulf %get3A_153, %get3A_316 : vector<16xf32>
        %add3A_318 = arith.addf %add3A_308, %mul3A_317 : vector<16xf32>
        %add3A_319 = arith.constant 2 : i32
        %add3A_320 = arith.addi %multiple_of3A, %add3A_319 : i32
        %get3A_321 = arith.constant 0 : i32
        %get3A_322 = arith.index_cast %get3A_321 : i32 to index
        %get3A_323 = arith.index_cast %add3A_320 : i32 to index
        %get3A_324 = arith.constant 0 : index
        %get3A_325 = tpu.vector_load %arg8[%get3A_322, %get3A_323, %get3A_324] {strides = array<i32>} : memref<2x208x128xf32, #tpu.memory_space<vmem>>, vector<1x1x16xf32>,
        %get3A_326 = vector.shape_cast %get3A_325 : vector<1x1x16xf32> to vector<16xf32>
        %mul3A_327 = arith.mulf %get3A_141, %get3A_326 : vector<16xf32>
        %add3A_328 = arith.constant 2 : i32
        %add3A_329 = arith.addi %multiple_of3A, %add3A_328 : i32
        %get3A_330 = arith.constant 0 : i32
        %get3A_331 = arith.index_cast %get3A_330 : i32 to index
        %get3A_332 = arith.index_cast %add3A_329 : i32 to index
        %get3A_333 = arith.constant 16 : index
        %get3A_334 = tpu.vector_load %arg8[%get3A_331, %get3A_332, %get3A_333] {strides = array<i32>} : memref<2x208x128xf32, #tpu.memory_space<vmem>>, vector<1x1x16xf32>,
        %get3A_335 = vector.shape_cast %get3A_334 : vector<1x1x16xf32> to vector<16xf32>
        %mul3A_336 = arith.mulf %get3A_145, %get3A_335 : vector<16xf32>
        %add3A_337 = arith.addf %mul3A_327, %mul3A_336 : vector<16xf32>
        %add3A_338 = arith.constant 2 : i32
        %add3A_339 = arith.addi %multiple_of3A, %add3A_338 : i32
        %get3A_340 = arith.constant 0 : i32
        %get3A_341 = arith.index_cast %get3A_340 : i32 to index
        %get3A_342 = arith.index_cast %add3A_339 : i32 to index
        %get3A_343 = arith.constant 32 : index
        %get3A_344 = tpu.vector_load %arg8[%get3A_341, %get3A_342, %get3A_343] {strides = array<i32>} : memref<2x208x128xf32, #tpu.memory_space<vmem>>, vector<1x1x16xf32>,
        %get3A_345 = vector.shape_cast %get3A_344 : vector<1x1x16xf32> to vector<16xf32>
        %mul3A_346 = arith.mulf %get3A_149, %get3A_345 : vector<16xf32>
        %add3A_347 = arith.addf %add3A_337, %mul3A_346 : vector<16xf32>
        %add3A_348 = arith.constant 2 : i32
        %add3A_349 = arith.addi %multiple_of3A, %add3A_348 : i32
        %get3A_350 = arith.constant 0 : i32
        %get3A_351 = arith.index_cast %get3A_350 : i32 to index
        %get3A_352 = arith.index_cast %add3A_349 : i32 to index
        %get3A_353 = arith.constant 48 : index
        %get3A_354 = tpu.vector_load %arg8[%get3A_351, %get3A_352, %get3A_353] {strides = array<i32>} : memref<2x208x128xf32, #tpu.memory_space<vmem>>, vector<1x1x16xf32>,
        %get3A_355 = vector.shape_cast %get3A_354 : vector<1x1x16xf32> to vector<16xf32>
        %mul3A_356 = arith.mulf %get3A_153, %get3A_355 : vector<16xf32>
        %add3A_357 = arith.addf %add3A_347, %mul3A_356 : vector<16xf32>
        %add3A_358 = arith.constant 3 : i32
        %add3A_359 = arith.addi %multiple_of3A, %add3A_358 : i32
        %get3A_360 = arith.constant 0 : i32
        %get3A_361 = arith.index_cast %get3A_360 : i32 to index
        %get3A_362 = arith.index_cast %add3A_359 : i32 to index
        %get3A_363 = arith.constant 0 : index
        %get3A_364 = tpu.vector_load %arg8[%get3A_361, %get3A_362, %get3A_363] {strides = array<i32>} : memref<2x208x128xf32, #tpu.memory_space<vmem>>, vector<1x1x16xf32>,
        %get3A_365 = vector.shape_cast %get3A_364 : vector<1x1x16xf32> to vector<16xf32>
        %mul3A_366 = arith.mulf %get3A_141, %get3A_365 : vector<16xf32>
        %add3A_367 = arith.constant 3 : i32
        %add3A_368 = arith.addi %multiple_of3A, %add3A_367 : i32
        %get3A_369 = arith.constant 0 : i32
        %get3A_370 = arith.index_cast %get3A_369 : i32 to index
        %get3A_371 = arith.index_cast %add3A_368 : i32 to index
        %get3A_372 = arith.constant 16 : index
        %get3A_373 = tpu.vector_load %arg8[%get3A_370, %get3A_371, %get3A_372] {strides = array<i32>} : memref<2x208x128xf32, #tpu.memory_space<vmem>>, vector<1x1x16xf32>,
        %get3A_374 = vector.shape_cast %get3A_373 : vector<1x1x16xf32> to vector<16xf32>
        %mul3A_375 = arith.mulf %get3A_145, %get3A_374 : vector<16xf32>
        %add3A_376 = arith.addf %mul3A_366, %mul3A_375 : vector<16xf32>
        %add3A_377 = arith.constant 3 : i32
        %add3A_378 = arith.addi %multiple_of3A, %add3A_377 : i32
        %get3A_379 = arith.constant 0 : i32
        %get3A_380 = arith.index_cast %get3A_379 : i32 to index
        %get3A_381 = arith.index_cast %add3A_378 : i32 to index
        %get3A_382 = arith.constant 32 : index
        %get3A_383 = tpu.vector_load %arg8[%get3A_380, %get3A_381, %get3A_382] {strides = array<i32>} : memref<2x208x128xf32, #tpu.memory_space<vmem>>, vector<1x1x16xf32>,
        %get3A_384 = vector.shape_cast %get3A_383 : vector<1x1x16xf32> to vector<16xf32>
        %mul3A_385 = arith.mulf %get3A_149, %get3A_384 : vector<16xf32>
        %add3A_386 = arith.addf %add3A_376, %mul3A_385 : vector<16xf32>
        %add3A_387 = arith.constant 3 : i32
        %add3A_388 = arith.addi %multiple_of3A, %add3A_387 : i32
        %get3A_389 = arith.constant 0 : i32
        %get3A_390 = arith.index_cast %get3A_389 : i32 to index
        %get3A_391 = arith.index_cast %add3A_388 : i32 to index
        %get3A_392 = arith.constant 48 : index
        %get3A_393 = tpu.vector_load %arg8[%get3A_390, %get3A_391, %get3A_392] {strides = array<i32>} : memref<2x208x128xf32, #tpu.memory_space<vmem>>, vector<1x1x16xf32>,
        %get3A_394 = vector.shape_cast %get3A_393 : vector<1x1x16xf32> to vector<16xf32>
        %mul3A_395 = arith.mulf %get3A_153, %get3A_394 : vector<16xf32>
        %add3A_396 = arith.addf %add3A_386, %mul3A_395 : vector<16xf32>
        %add3A_397 = arith.constant 4 : i32
        %add3A_398 = arith.addi %multiple_of3A, %add3A_397 : i32
        %get3A_399 = arith.constant 0 : i32
        %get3A_400 = arith.index_cast %get3A_399 : i32 to index
        %get3A_401 = arith.index_cast %add3A_398 : i32 to index
        %get3A_402 = arith.constant 0 : index
        %get3A_403 = tpu.vector_load %arg8[%get3A_400, %get3A_401, %get3A_402] {strides = array<i32>} : memref<2x208x128xf32, #tpu.memory_space<vmem>>, vector<1x1x16xf32>,
        %get3A_404 = vector.shape_cast %get3A_403 : vector<1x1x16xf32> to vector<16xf32>
        %mul3A_405 = arith.mulf %get3A_141, %get3A_404 : vector<16xf32>
        %add3A_406 = arith.constant 4 : i32
        %add3A_407 = arith.addi %multiple_of3A, %add3A_406 : i32
        %get3A_408 = arith.constant 0 : i32
        %get3A_409 = arith.index_cast %get3A_408 : i32 to index
        %get3A_410 = arith.index_cast %add3A_407 : i32 to index
        %get3A_411 = arith.constant 16 : index
        %get3A_412 = tpu.vector_load %arg8[%get3A_409, %get3A_410, %get3A_411] {strides = array<i32>} : memref<2x208x128xf32, #tpu.memory_space<vmem>>, vector<1x1x16xf32>,
        %get3A_413 = vector.shape_cast %get3A_412 : vector<1x1x16xf32> to vector<16xf32>
        %mul3A_414 = arith.mulf %get3A_145, %get3A_413 : vector<16xf32>
        %add3A_415 = arith.addf %mul3A_405, %mul3A_414 : vector<16xf32>
        %add3A_416 = arith.constant 4 : i32
        %add3A_417 = arith.addi %multiple_of3A, %add3A_416 : i32
        %get3A_418 = arith.constant 0 : i32
        %get3A_419 = arith.index_cast %get3A_418 : i32 to index
        %get3A_420 = arith.index_cast %add3A_417 : i32 to index
        %get3A_421 = arith.constant 32 : index
        %get3A_422 = tpu.vector_load %arg8[%get3A_419, %get3A_420, %get3A_421] {strides = array<i32>} : memref<2x208x128xf32, #tpu.memory_space<vmem>>, vector<1x1x16xf32>,
        %get3A_423 = vector.shape_cast %get3A_422 : vector<1x1x16xf32> to vector<16xf32>
        %mul3A_424 = arith.mulf %get3A_149, %get3A_423 : vector<16xf32>
        %add3A_425 = arith.addf %add3A_415, %mul3A_424 : vector<16xf32>
        %add3A_426 = arith.constant 4 : i32
        %add3A_427 = arith.addi %multiple_of3A, %add3A_426 : i32
        %get3A_428 = arith.constant 0 : i32
        %get3A_429 = arith.index_cast %get3A_428 : i32 to index
        %get3A_430 = arith.index_cast %add3A_427 : i32 to index
        %get3A_431 = arith.constant 48 : index
        %get3A_432 = tpu.vector_load %arg8[%get3A_429, %get3A_430, %get3A_431] {strides = array<i32>} : memref<2x208x128xf32, #tpu.memory_space<vmem>>, vector<1x1x16xf32>,
        %get3A_433 = vector.shape_cast %get3A_432 : vector<1x1x16xf32> to vector<16xf32>
        %mul3A_434 = arith.mulf %get3A_153, %get3A_433 : vector<16xf32>
        %add3A_435 = arith.addf %add3A_425, %mul3A_434 : vector<16xf32>
        %add3A_436 = arith.constant 5 : i32
        %add3A_437 = arith.addi %multiple_of3A, %add3A_436 : i32
        %get3A_438 = arith.constant 0 : i32
        %get3A_439 = arith.index_cast %get3A_438 : i32 to index
        %get3A_440 = arith.index_cast %add3A_437 : i32 to index
        %get3A_441 = arith.constant 0 : index
        %get3A_442 = tpu.vector_load %arg8[%get3A_439, %get3A_440, %get3A_441] {strides = array<i32>} : memref<2x208x128xf32, #tpu.memory_space<vmem>>, vector<1x1x16xf32>,
        %get3A_443 = vector.shape_cast %get3A_442 : vector<1x1x16xf32> to vector<16xf32>
        %mul3A_444 = arith.mulf %get3A_141, %get3A_443 : vector<16xf32>
        %add3A_445 = arith.constant 5 : i32
        %add3A_446 = arith.addi %multiple_of3A, %add3A_445 : i32
        %get3A_447 = arith.constant 0 : i32
        %get3A_448 = arith.index_cast %get3A_447 : i32 to index
        %get3A_449 = arith.index_cast %add3A_446 : i32 to index
        %get3A_450 = arith.constant 16 : index
        %get3A_451 = tpu.vector_load %arg8[%get3A_448, %get3A_449, %get3A_450] {strides = array<i32>} : memref<2x208x128xf32, #tpu.memory_space<vmem>>, vector<1x1x16xf32>,
        %get3A_452 = vector.shape_cast %get3A_451 : vector<1x1x16xf32> to vector<16xf32>
        %mul3A_453 = arith.mulf %get3A_145, %get3A_452 : vector<16xf32>
        %add3A_454 = arith.addf %mul3A_444, %mul3A_453 : vector<16xf32>
        %add3A_455 = arith.constant 5 : i32
        %add3A_456 = arith.addi %multiple_of3A, %add3A_455 : i32
        %get3A_457 = arith.constant 0 : i32
        %get3A_458 = arith.index_cast %get3A_457 : i32 to index
        %get3A_459 = arith.index_cast %add3A_456 : i32 to index
        %get3A_460 = arith.constant 32 : index
        %get3A_461 = tpu.vector_load %arg8[%get3A_458, %get3A_459, %get3A_460] {strides = array<i32>} : memref<2x208x128xf32, #tpu.memory_space<vmem>>, vector<1x1x16xf32>,
        %get3A_462 = vector.shape_cast %get3A_461 : vector<1x1x16xf32> to vector<16xf32>
        %mul3A_463 = arith.mulf %get3A_149, %get3A_462 : vector<16xf32>
        %add3A_464 = arith.addf %add3A_454, %mul3A_463 : vector<16xf32>
        %add3A_465 = arith.constant 5 : i32
        %add3A_466 = arith.addi %multiple_of3A, %add3A_465 : i32
        %get3A_467 = arith.constant 0 : i32
        %get3A_468 = arith.index_cast %get3A_467 : i32 to index
        %get3A_469 = arith.index_cast %add3A_466 : i32 to index
        %get3A_470 = arith.constant 48 : index
        %get3A_471 = tpu.vector_load %arg8[%get3A_468, %get3A_469, %get3A_470] {strides = array<i32>} : memref<2x208x128xf32, #tpu.memory_space<vmem>>, vector<1x1x16xf32>,
        %get3A_472 = vector.shape_cast %get3A_471 : vector<1x1x16xf32> to vector<16xf32>
        %mul3A_473 = arith.mulf %get3A_153, %get3A_472 : vector<16xf32>
        %add3A_474 = arith.addf %add3A_464, %mul3A_473 : vector<16xf32>
        %add3A_475 = arith.constant 6 : i32
        %add3A_476 = arith.addi %multiple_of3A, %add3A_475 : i32
        %get3A_477 = arith.constant 0 : i32
        %get3A_478 = arith.index_cast %get3A_477 : i32 to index
        %get3A_479 = arith.index_cast %add3A_476 : i32 to index
        %get3A_480 = arith.constant 0 : index
        %get3A_481 = tpu.vector_load %arg8[%get3A_478, %get3A_479, %get3A_480] {strides = array<i32>} : memref<2x208x128xf32, #tpu.memory_space<vmem>>, vector<1x1x16xf32>,
        %get3A_482 = vector.shape_cast %get3A_481 : vector<1x1x16xf32> to vector<16xf32>
        %mul3A_483 = arith.mulf %get3A_141, %get3A_482 : vector<16xf32>
        %add3A_484 = arith.constant 6 : i32
        %add3A_485 = arith.addi %multiple_of3A, %add3A_484 : i32
        %get3A_486 = arith.constant 0 : i32
        %get3A_487 = arith.index_cast %get3A_486 : i32 to index
        %get3A_488 = arith.index_cast %add3A_485 : i32 to index
        %get3A_489 = arith.constant 16 : index
        %get3A_490 = tpu.vector_load %arg8[%get3A_487, %get3A_488, %get3A_489] {strides = array<i32>} : memref<2x208x128xf32, #tpu.memory_space<vmem>>, vector<1x1x16xf32>,
        %get3A_491 = vector.shape_cast %get3A_490 : vector<1x1x16xf32> to vector<16xf32>
        %mul3A_492 = arith.mulf %get3A_145, %get3A_491 : vector<16xf32>
        %add3A_493 = arith.addf %mul3A_483, %mul3A_492 : vector<16xf32>
        %add3A_494 = arith.constant 6 : i32
        %add3A_495 = arith.addi %multiple_of3A, %add3A_494 : i32
        %get3A_496 = arith.constant 0 : i32
        %get3A_497 = arith.index_cast %get3A_496 : i32 to index
        %get3A_498 = arith.index_cast %add3A_495 : i32 to index
        %get3A_499 = arith.constant 32 : index
        %get3A_500 = tpu.vector_load %arg8[%get3A_497, %get3A_498, %get3A_499] {strides = array<i32>} : memref<2x208x128xf32, #tpu.memory_space<vmem>>, vector<1x1x16xf32>,
        %get3A_501 = vector.shape_cast %get3A_500 : vector<1x1x16xf32> to vector<16xf32>
        %mul3A_502 = arith.mulf %get3A_149, %get3A_501 : vector<16xf32>
        %add3A_503 = arith.addf %add3A_493, %mul3A_502 : vector<16xf32>
        %add3A_504 = arith.constant 6 : i32
        %add3A_505 = arith.addi %multiple_of3A, %add3A_504 : i32
        %get3A_506 = arith.constant 0 : i32
        %get3A_507 = arith.index_cast %get3A_506 : i32 to index
        %get3A_508 = arith.index_cast %add3A_505 : i32 to index
        %get3A_509 = arith.constant 48 : index
        %get3A_510 = tpu.vector_load %arg8[%get3A_507, %get3A_508, %get3A_509] {strides = array<i32>} : memref<2x208x128xf32, #tpu.memory_space<vmem>>, vector<1x1x16xf32>,
        %get3A_511 = vector.shape_cast %get3A_510 : vector<1x1x16xf32> to vector<16xf32>
        %mul3A_512 = arith.mulf %get3A_153, %get3A_511 : vector<16xf32>
        %add3A_513 = arith.addf %add3A_503, %mul3A_512 : vector<16xf32>
        %add3A_514 = arith.constant 7 : i32
        %add3A_515 = arith.addi %multiple_of3A, %add3A_514 : i32
        %get3A_516 = arith.constant 0 : i32
        %get3A_517 = arith.index_cast %get3A_516 : i32 to index
        %get3A_518 = arith.index_cast %add3A_515 : i32 to index
        %get3A_519 = arith.constant 0 : index
        %get3A_520 = tpu.vector_load %arg8[%get3A_517, %get3A_518, %get3A_519] {strides = array<i32>} : memref<2x208x128xf32, #tpu.memory_space<vmem>>, vector<1x1x16xf32>,
        %get3A_521 = vector.shape_cast %get3A_520 : vector<1x1x16xf32> to vector<16xf32>
        %mul3A_522 = arith.mulf %get3A_141, %get3A_521 : vector<16xf32>
        %add3A_523 = arith.constant 7 : i32
        %add3A_524 = arith.addi %multiple_of3A, %add3A_523 : i32
        %get3A_525 = arith.constant 0 : i32
        %get3A_526 = arith.index_cast %get3A_525 : i32 to index
        %get3A_527 = arith.index_cast %add3A_524 : i32 to index
        %get3A_528 = arith.constant 16 : index
        %get3A_529 = tpu.vector_load %arg8[%get3A_526, %get3A_527, %get3A_528] {strides = array<i32>} : memref<2x208x128xf32, #tpu.memory_space<vmem>>, vector<1x1x16xf32>,
        %get3A_530 = vector.shape_cast %get3A_529 : vector<1x1x16xf32> to vector<16xf32>
        %mul3A_531 = arith.mulf %get3A_145, %get3A_530 : vector<16xf32>
        %add3A_532 = arith.addf %mul3A_522, %mul3A_531 : vector<16xf32>
        %add3A_533 = arith.constant 7 : i32
        %add3A_534 = arith.addi %multiple_of3A, %add3A_533 : i32
        %get3A_535 = arith.constant 0 : i32
        %get3A_536 = arith.index_cast %get3A_535 : i32 to index
        %get3A_537 = arith.index_cast %add3A_534 : i32 to index
        %get3A_538 = arith.constant 32 : index
        %get3A_539 = tpu.vector_load %arg8[%get3A_536, %get3A_537, %get3A_538] {strides = array<i32>} : memref<2x208x128xf32, #tpu.memory_space<vmem>>, vector<1x1x16xf32>,
        %get3A_540 = vector.shape_cast %get3A_539 : vector<1x1x16xf32> to vector<16xf32>
        %mul3A_541 = arith.mulf %get3A_149, %get3A_540 : vector<16xf32>
        %add3A_542 = arith.addf %add3A_532, %mul3A_541 : vector<16xf32>
        %add3A_543 = arith.constant 7 : i32
        %add3A_544 = arith.addi %multiple_of3A, %add3A_543 : i32
        %get3A_545 = arith.constant 0 : i32
        %get3A_546 = arith.index_cast %get3A_545 : i32 to index
        %get3A_547 = arith.index_cast %add3A_544 : i32 to index
        %get3A_548 = arith.constant 48 : index
        %get3A_549 = tpu.vector_load %arg8[%get3A_546, %get3A_547, %get3A_548] {strides = array<i32>} : memref<2x208x128xf32, #tpu.memory_space<vmem>>, vector<1x1x16xf32>,
        %get3A_550 = vector.shape_cast %get3A_549 : vector<1x1x16xf32> to vector<16xf32>
        %mul3A_551 = arith.mulf %get3A_153, %get3A_550 : vector<16xf32>
        %add3A_552 = arith.addf %add3A_542, %mul3A_551 : vector<16xf32>
        %add3A_553 = arith.constant 8 : i32
        %add3A_554 = arith.addi %multiple_of3A, %add3A_553 : i32
        %get3A_555 = arith.constant 0 : i32
        %get3A_556 = arith.index_cast %get3A_555 : i32 to index
        %get3A_557 = arith.index_cast %add3A_554 : i32 to index
        %get3A_558 = arith.constant 0 : index
        %get3A_559 = tpu.vector_load %arg8[%get3A_556, %get3A_557, %get3A_558] {strides = array<i32>} : memref<2x208x128xf32, #tpu.memory_space<vmem>>, vector<1x1x16xf32>,
        %get3A_560 = vector.shape_cast %get3A_559 : vector<1x1x16xf32> to vector<16xf32>
        %mul3A_561 = arith.mulf %get3A_141, %get3A_560 : vector<16xf32>
        %add3A_562 = arith.constant 8 : i32
        %add3A_563 = arith.addi %multiple_of3A, %add3A_562 : i32
        %get3A_564 = arith.constant 0 : i32
        %get3A_565 = arith.index_cast %get3A_564 : i32 to index
        %get3A_566 = arith.index_cast %add3A_563 : i32 to index
        %get3A_567 = arith.constant 16 : index
        %get3A_568 = tpu.vector_load %arg8[%get3A_565, %get3A_566, %get3A_567] {strides = array<i32>} : memref<2x208x128xf32, #tpu.memory_space<vmem>>, vector<1x1x16xf32>,
        %get3A_569 = vector.shape_cast %get3A_568 : vector<1x1x16xf32> to vector<16xf32>
        %mul3A_570 = arith.mulf %get3A_145, %get3A_569 : vector<16xf32>
        %add3A_571 = arith.addf %mul3A_561, %mul3A_570 : vector<16xf32>
        %add3A_572 = arith.constant 8 : i32
        %add3A_573 = arith.addi %multiple_of3A, %add3A_572 : i32
        %get3A_574 = arith.constant 0 : i32
        %get3A_575 = arith.index_cast %get3A_574 : i32 to index
        %get3A_576 = arith.index_cast %add3A_573 : i32 to index
        %get3A_577 = arith.constant 32 : index
        %get3A_578 = tpu.vector_load %arg8[%get3A_575, %get3A_576, %get3A_577] {strides = array<i32>} : memref<2x208x128xf32, #tpu.memory_space<vmem>>, vector<1x1x16xf32>,
        %get3A_579 = vector.shape_cast %get3A_578 : vector<1x1x16xf32> to vector<16xf32>
        %mul3A_580 = arith.mulf %get3A_149, %get3A_579 : vector<16xf32>
        %add3A_581 = arith.addf %add3A_571, %mul3A_580 : vector<16xf32>
        %add3A_582 = arith.constant 8 : i32
        %add3A_583 = arith.addi %multiple_of3A, %add3A_582 : i32
        %get3A_584 = arith.constant 0 : i32
        %get3A_585 = arith.index_cast %get3A_584 : i32 to index
        %get3A_586 = arith.index_cast %add3A_583 : i32 to index
        %get3A_587 = arith.constant 48 : index
        %get3A_588 = tpu.vector_load %arg8[%get3A_585, %get3A_586, %get3A_587] {strides = array<i32>} : memref<2x208x128xf32, #tpu.memory_space<vmem>>, vector<1x1x16xf32>,
        %get3A_589 = vector.shape_cast %get3A_588 : vector<1x1x16xf32> to vector<16xf32>
        %mul3A_590 = arith.mulf %get3A_153, %get3A_589 : vector<16xf32>
        %add3A_591 = arith.addf %add3A_581, %mul3A_590 : vector<16xf32>
        %add3A_592 = arith.constant 9 : i32
        %add3A_593 = arith.addi %multiple_of3A, %add3A_592 : i32
        %get3A_594 = arith.constant 0 : i32
        %get3A_595 = arith.index_cast %get3A_594 : i32 to index
        %get3A_596 = arith.index_cast %add3A_593 : i32 to index
        %get3A_597 = arith.constant 0 : index
        %get3A_598 = tpu.vector_load %arg8[%get3A_595, %get3A_596, %get3A_597] {strides = array<i32>} : memref<2x208x128xf32, #tpu.memory_space<vmem>>, vector<1x1x16xf32>,
        %get3A_599 = vector.shape_cast %get3A_598 : vector<1x1x16xf32> to vector<16xf32>
        %mul3A_600 = arith.mulf %get3A_141, %get3A_599 : vector<16xf32>
        %add3A_601 = arith.constant 9 : i32
        %add3A_602 = arith.addi %multiple_of3A, %add3A_601 : i32
        %get3A_603 = arith.constant 0 : i32
        %get3A_604 = arith.index_cast %get3A_603 : i32 to index
        %get3A_605 = arith.index_cast %add3A_602 : i32 to index
        %get3A_606 = arith.constant 16 : index
        %get3A_607 = tpu.vector_load %arg8[%get3A_604, %get3A_605, %get3A_606] {strides = array<i32>} : memref<2x208x128xf32, #tpu.memory_space<vmem>>, vector<1x1x16xf32>,
        %get3A_608 = vector.shape_cast %get3A_607 : vector<1x1x16xf32> to vector<16xf32>
        %mul3A_609 = arith.mulf %get3A_145, %get3A_608 : vector<16xf32>
        %add3A_610 = arith.addf %mul3A_600, %mul3A_609 : vector<16xf32>
        %add3A_611 = arith.constant 9 : i32
        %add3A_612 = arith.addi %multiple_of3A, %add3A_611 : i32
        %get3A_613 = arith.constant 0 : i32
        %get3A_614 = arith.index_cast %get3A_613 : i32 to index
        %get3A_615 = arith.index_cast %add3A_612 : i32 to index
        %get3A_616 = arith.constant 32 : index
        %get3A_617 = tpu.vector_load %arg8[%get3A_614, %get3A_615, %get3A_616] {strides = array<i32>} : memref<2x208x128xf32, #tpu.memory_space<vmem>>, vector<1x1x16xf32>,
        %get3A_618 = vector.shape_cast %get3A_617 : vector<1x1x16xf32> to vector<16xf32>
        %mul3A_619 = arith.mulf %get3A_149, %get3A_618 : vector<16xf32>
        %add3A_620 = arith.addf %add3A_610, %mul3A_619 : vector<16xf32>
        %add3A_621 = arith.constant 9 : i32
        %add3A_622 = arith.addi %multiple_of3A, %add3A_621 : i32
        %get3A_623 = arith.constant 0 : i32
        %get3A_624 = arith.index_cast %get3A_623 : i32 to index
        %get3A_625 = arith.index_cast %add3A_622 : i32 to index
        %get3A_626 = arith.constant 48 : index
        %get3A_627 = tpu.vector_load %arg8[%get3A_624, %get3A_625, %get3A_626] {strides = array<i32>} : memref<2x208x128xf32, #tpu.memory_space<vmem>>, vector<1x1x16xf32>,
        %get3A_628 = vector.shape_cast %get3A_627 : vector<1x1x16xf32> to vector<16xf32>
        %mul3A_629 = arith.mulf %get3A_153, %get3A_628 : vector<16xf32>
        %add3A_630 = arith.addf %add3A_620, %mul3A_629 : vector<16xf32>
        %add3A_631 = arith.constant 10 : i32
        %add3A_632 = arith.addi %multiple_of3A, %add3A_631 : i32
        %get3A_633 = arith.constant 0 : i32
        %get3A_634 = arith.index_cast %get3A_633 : i32 to index
        %get3A_635 = arith.index_cast %add3A_632 : i32 to index
        %get3A_636 = arith.constant 0 : index
        %get3A_637 = tpu.vector_load %arg8[%get3A_634, %get3A_635, %get3A_636] {strides = array<i32>} : memref<2x208x128xf32, #tpu.memory_space<vmem>>, vector<1x1x16xf32>,
        %get3A_638 = vector.shape_cast %get3A_637 : vector<1x1x16xf32> to vector<16xf32>
        %mul3A_639 = arith.mulf %get3A_141, %get3A_638 : vector<16xf32>
        %add3A_640 = arith.constant 10 : i32
        %add3A_641 = arith.addi %multiple_of3A, %add3A_640 : i32
        %get3A_642 = arith.constant 0 : i32
        %get3A_643 = arith.index_cast %get3A_642 : i32 to index
        %get3A_644 = arith.index_cast %add3A_641 : i32 to index
        %get3A_645 = arith.constant 16 : index
        %get3A_646 = tpu.vector_load %arg8[%get3A_643, %get3A_644, %get3A_645] {strides = array<i32>} : memref<2x208x128xf32, #tpu.memory_space<vmem>>, vector<1x1x16xf32>,
        %get3A_647 = vector.shape_cast %get3A_646 : vector<1x1x16xf32> to vector<16xf32>
        %mul3A_648 = arith.mulf %get3A_145, %get3A_647 : vector<16xf32>
        %add3A_649 = arith.addf %mul3A_639, %mul3A_648 : vector<16xf32>
        %add3A_650 = arith.constant 10 : i32
        %add3A_651 = arith.addi %multiple_of3A, %add3A_650 : i32
        %get3A_652 = arith.constant 0 : i32
        %get3A_653 = arith.index_cast %get3A_652 : i32 to index
        %get3A_654 = arith.index_cast %add3A_651 : i32 to index
        %get3A_655 = arith.constant 32 : index
        %get3A_656 = tpu.vector_load %arg8[%get3A_653, %get3A_654, %get3A_655] {strides = array<i32>} : memref<2x208x128xf32, #tpu.memory_space<vmem>>, vector<1x1x16xf32>,
        %get3A_657 = vector.shape_cast %get3A_656 : vector<1x1x16xf32> to vector<16xf32>
        %mul3A_658 = arith.mulf %get3A_149, %get3A_657 : vector<16xf32>
        %add3A_659 = arith.addf %add3A_649, %mul3A_658 : vector<16xf32>
        %add3A_660 = arith.constant 10 : i32
        %add3A_661 = arith.addi %multiple_of3A, %add3A_660 : i32
        %get3A_662 = arith.constant 0 : i32
        %get3A_663 = arith.index_cast %get3A_662 : i32 to index
        %get3A_664 = arith.index_cast %add3A_661 : i32 to index
        %get3A_665 = arith.constant 48 : index
        %get3A_666 = tpu.vector_load %arg8[%get3A_663, %get3A_664, %get3A_665] {strides = array<i32>} : memref<2x208x128xf32, #tpu.memory_space<vmem>>, vector<1x1x16xf32>,
        %get3A_667 = vector.shape_cast %get3A_666 : vector<1x1x16xf32> to vector<16xf32>
        %mul3A_668 = arith.mulf %get3A_153, %get3A_667 : vector<16xf32>
        %add3A_669 = arith.addf %add3A_659, %mul3A_668 : vector<16xf32>
        %add3A_670 = arith.constant 11 : i32
        %add3A_671 = arith.addi %multiple_of3A, %add3A_670 : i32
        %get3A_672 = arith.constant 0 : i32
        %get3A_673 = arith.index_cast %get3A_672 : i32 to index
        %get3A_674 = arith.index_cast %add3A_671 : i32 to index
        %get3A_675 = arith.constant 0 : index
        %get3A_676 = tpu.vector_load %arg8[%get3A_673, %get3A_674, %get3A_675] {strides = array<i32>} : memref<2x208x128xf32, #tpu.memory_space<vmem>>, vector<1x1x16xf32>,
        %get3A_677 = vector.shape_cast %get3A_676 : vector<1x1x16xf32> to vector<16xf32>
        %mul3A_678 = arith.mulf %get3A_141, %get3A_677 : vector<16xf32>
        %add3A_679 = arith.constant 11 : i32
        %add3A_680 = arith.addi %multiple_of3A, %add3A_679 : i32
        %get3A_681 = arith.constant 0 : i32
        %get3A_682 = arith.index_cast %get3A_681 : i32 to index
        %get3A_683 = arith.index_cast %add3A_680 : i32 to index
        %get3A_684 = arith.constant 16 : index
        %get3A_685 = tpu.vector_load %arg8[%get3A_682, %get3A_683, %get3A_684] {strides = array<i32>} : memref<2x208x128xf32, #tpu.memory_space<vmem>>, vector<1x1x16xf32>,
        %get3A_686 = vector.shape_cast %get3A_685 : vector<1x1x16xf32> to vector<16xf32>
        %mul3A_687 = arith.mulf %get3A_145, %get3A_686 : vector<16xf32>
        %add3A_688 = arith.addf %mul3A_678, %mul3A_687 : vector<16xf32>
        %add3A_689 = arith.constant 11 : i32
        %add3A_690 = arith.addi %multiple_of3A, %add3A_689 : i32
        %get3A_691 = arith.constant 0 : i32
        %get3A_692 = arith.index_cast %get3A_691 : i32 to index
        %get3A_693 = arith.index_cast %add3A_690 : i32 to index
        %get3A_694 = arith.constant 32 : index
        %get3A_695 = tpu.vector_load %arg8[%get3A_692, %get3A_693, %get3A_694] {strides = array<i32>} : memref<2x208x128xf32, #tpu.memory_space<vmem>>, vector<1x1x16xf32>,
        %get3A_696 = vector.shape_cast %get3A_695 : vector<1x1x16xf32> to vector<16xf32>
        %mul3A_697 = arith.mulf %get3A_149, %get3A_696 : vector<16xf32>
        %add3A_698 = arith.addf %add3A_688, %mul3A_697 : vector<16xf32>
        %add3A_699 = arith.constant 11 : i32
        %add3A_700 = arith.addi %multiple_of3A, %add3A_699 : i32
        %get3A_701 = arith.constant 0 : i32
        %get3A_702 = arith.index_cast %get3A_701 : i32 to index
        %get3A_703 = arith.index_cast %add3A_700 : i32 to index
        %get3A_704 = arith.constant 48 : index
        %get3A_705 = tpu.vector_load %arg8[%get3A_702, %get3A_703, %get3A_704] {strides = array<i32>} : memref<2x208x128xf32, #tpu.memory_space<vmem>>, vector<1x1x16xf32>,
        %get3A_706 = vector.shape_cast %get3A_705 : vector<1x1x16xf32> to vector<16xf32>
        %mul3A_707 = arith.mulf %get3A_153, %get3A_706 : vector<16xf32>
        %add3A_708 = arith.addf %add3A_698, %mul3A_707 : vector<16xf32>
        %add3A_709 = arith.constant 12 : i32
        %add3A_710 = arith.addi %multiple_of3A, %add3A_709 : i32
        %get3A_711 = arith.constant 0 : i32
        %get3A_712 = arith.index_cast %get3A_711 : i32 to index
        %get3A_713 = arith.index_cast %add3A_710 : i32 to index
        %get3A_714 = arith.constant 0 : index
        %get3A_715 = tpu.vector_load %arg8[%get3A_712, %get3A_713, %get3A_714] {strides = array<i32>} : memref<2x208x128xf32, #tpu.memory_space<vmem>>, vector<1x1x16xf32>,
        %get3A_716 = vector.shape_cast %get3A_715 : vector<1x1x16xf32> to vector<16xf32>
        %mul3A_717 = arith.mulf %get3A_141, %get3A_716 : vector<16xf32>
        %add3A_718 = arith.constant 12 : i32
        %add3A_719 = arith.addi %multiple_of3A, %add3A_718 : i32
        %get3A_720 = arith.constant 0 : i32
        %get3A_721 = arith.index_cast %get3A_720 : i32 to index
        %get3A_722 = arith.index_cast %add3A_719 : i32 to index
        %get3A_723 = arith.constant 16 : index
        %get3A_724 = tpu.vector_load %arg8[%get3A_721, %get3A_722, %get3A_723] {strides = array<i32>} : memref<2x208x128xf32, #tpu.memory_space<vmem>>, vector<1x1x16xf32>,
        %get3A_725 = vector.shape_cast %get3A_724 : vector<1x1x16xf32> to vector<16xf32>
        %mul3A_726 = arith.mulf %get3A_145, %get3A_725 : vector<16xf32>
        %add3A_727 = arith.addf %mul3A_717, %mul3A_726 : vector<16xf32>
        %add3A_728 = arith.constant 12 : i32
        %add3A_729 = arith.addi %multiple_of3A, %add3A_728 : i32
        %get3A_730 = arith.constant 0 : i32
        %get3A_731 = arith.index_cast %get3A_730 : i32 to index
        %get3A_732 = arith.index_cast %add3A_729 : i32 to index
        %get3A_733 = arith.constant 32 : index
        %get3A_734 = tpu.vector_load %arg8[%get3A_731, %get3A_732, %get3A_733] {strides = array<i32>} : memref<2x208x128xf32, #tpu.memory_space<vmem>>, vector<1x1x16xf32>,
        %get3A_735 = vector.shape_cast %get3A_734 : vector<1x1x16xf32> to vector<16xf32>
        %mul3A_736 = arith.mulf %get3A_149, %get3A_735 : vector<16xf32>
        %add3A_737 = arith.addf %add3A_727, %mul3A_736 : vector<16xf32>
        %add3A_738 = arith.constant 12 : i32
        %add3A_739 = arith.addi %multiple_of3A, %add3A_738 : i32
        %get3A_740 = arith.constant 0 : i32
        %get3A_741 = arith.index_cast %get3A_740 : i32 to index
        %get3A_742 = arith.index_cast %add3A_739 : i32 to index
        %get3A_743 = arith.constant 48 : index
        %get3A_744 = tpu.vector_load %arg8[%get3A_741, %get3A_742, %get3A_743] {strides = array<i32>} : memref<2x208x128xf32, #tpu.memory_space<vmem>>, vector<1x1x16xf32>,
        %get3A_745 = vector.shape_cast %get3A_744 : vector<1x1x16xf32> to vector<16xf32>
        %mul3A_746 = arith.mulf %get3A_153, %get3A_745 : vector<16xf32>
        %add3A_747 = arith.addf %add3A_737, %mul3A_746 : vector<16xf32>
        %add3A_748 = arith.constant 13 : i32
        %add3A_749 = arith.addi %multiple_of3A, %add3A_748 : i32
        %get3A_750 = arith.constant 0 : i32
        %get3A_751 = arith.index_cast %get3A_750 : i32 to index
        %get3A_752 = arith.index_cast %add3A_749 : i32 to index
        %get3A_753 = arith.constant 0 : index
        %get3A_754 = tpu.vector_load %arg8[%get3A_751, %get3A_752, %get3A_753] {strides = array<i32>} : memref<2x208x128xf32, #tpu.memory_space<vmem>>, vector<1x1x16xf32>,
        %get3A_755 = vector.shape_cast %get3A_754 : vector<1x1x16xf32> to vector<16xf32>
        %mul3A_756 = arith.mulf %get3A_141, %get3A_755 : vector<16xf32>
        %add3A_757 = arith.constant 13 : i32
        %add3A_758 = arith.addi %multiple_of3A, %add3A_757 : i32
        %get3A_759 = arith.constant 0 : i32
        %get3A_760 = arith.index_cast %get3A_759 : i32 to index
        %get3A_761 = arith.index_cast %add3A_758 : i32 to index
        %get3A_762 = arith.constant 16 : index
        %get3A_763 = tpu.vector_load %arg8[%get3A_760, %get3A_761, %get3A_762] {strides = array<i32>} : memref<2x208x128xf32, #tpu.memory_space<vmem>>, vector<1x1x16xf32>,
        %get3A_764 = vector.shape_cast %get3A_763 : vector<1x1x16xf32> to vector<16xf32>
        %mul3A_765 = arith.mulf %get3A_145, %get3A_764 : vector<16xf32>
        %add3A_766 = arith.addf %mul3A_756, %mul3A_765 : vector<16xf32>
        %add3A_767 = arith.constant 13 : i32
        %add3A_768 = arith.addi %multiple_of3A, %add3A_767 : i32
        %get3A_769 = arith.constant 0 : i32
        %get3A_770 = arith.index_cast %get3A_769 : i32 to index
        %get3A_771 = arith.index_cast %add3A_768 : i32 to index
        %get3A_772 = arith.constant 32 : index
        %get3A_773 = tpu.vector_load %arg8[%get3A_770, %get3A_771, %get3A_772] {strides = array<i32>} : memref<2x208x128xf32, #tpu.memory_space<vmem>>, vector<1x1x16xf32>,
        %get3A_774 = vector.shape_cast %get3A_773 : vector<1x1x16xf32> to vector<16xf32>
        %mul3A_775 = arith.mulf %get3A_149, %get3A_774 : vector<16xf32>
        %add3A_776 = arith.addf %add3A_766, %mul3A_775 : vector<16xf32>
        %add3A_777 = arith.constant 13 : i32
        %add3A_778 = arith.addi %multiple_of3A, %add3A_777 : i32
        %get3A_779 = arith.constant 0 : i32
        %get3A_780 = arith.index_cast %get3A_779 : i32 to index
        %get3A_781 = arith.index_cast %add3A_778 : i32 to index
        %get3A_782 = arith.constant 48 : index
        %get3A_783 = tpu.vector_load %arg8[%get3A_780, %get3A_781, %get3A_782] {strides = array<i32>} : memref<2x208x128xf32, #tpu.memory_space<vmem>>, vector<1x1x16xf32>,
        %get3A_784 = vector.shape_cast %get3A_783 : vector<1x1x16xf32> to vector<16xf32>
        %mul3A_785 = arith.mulf %get3A_153, %get3A_784 : vector<16xf32>
        %add3A_786 = arith.addf %add3A_776, %mul3A_785 : vector<16xf32>
        %add3A_787 = arith.constant 14 : i32
        %add3A_788 = arith.addi %multiple_of3A, %add3A_787 : i32
        %get3A_789 = arith.constant 0 : i32
        %get3A_790 = arith.index_cast %get3A_789 : i32 to index
        %get3A_791 = arith.index_cast %add3A_788 : i32 to index
        %get3A_792 = arith.constant 0 : index
        %get3A_793 = tpu.vector_load %arg8[%get3A_790, %get3A_791, %get3A_792] {strides = array<i32>} : memref<2x208x128xf32, #tpu.memory_space<vmem>>, vector<1x1x16xf32>,
        %get3A_794 = vector.shape_cast %get3A_793 : vector<1x1x16xf32> to vector<16xf32>
        %mul3A_795 = arith.mulf %get3A_141, %get3A_794 : vector<16xf32>
        %add3A_796 = arith.constant 14 : i32
        %add3A_797 = arith.addi %multiple_of3A, %add3A_796 : i32
        %get3A_798 = arith.constant 0 : i32
        %get3A_799 = arith.index_cast %get3A_798 : i32 to index
        %get3A_800 = arith.index_cast %add3A_797 : i32 to index
        %get3A_801 = arith.constant 16 : index
        %get3A_802 = tpu.vector_load %arg8[%get3A_799, %get3A_800, %get3A_801] {strides = array<i32>} : memref<2x208x128xf32, #tpu.memory_space<vmem>>, vector<1x1x16xf32>,
        %get3A_803 = vector.shape_cast %get3A_802 : vector<1x1x16xf32> to vector<16xf32>
        %mul3A_804 = arith.mulf %get3A_145, %get3A_803 : vector<16xf32>
        %add3A_805 = arith.addf %mul3A_795, %mul3A_804 : vector<16xf32>
        %add3A_806 = arith.constant 14 : i32
        %add3A_807 = arith.addi %multiple_of3A, %add3A_806 : i32
        %get3A_808 = arith.constant 0 : i32
        %get3A_809 = arith.index_cast %get3A_808 : i32 to index
        %get3A_810 = arith.index_cast %add3A_807 : i32 to index
        %get3A_811 = arith.constant 32 : index
        %get3A_812 = tpu.vector_load %arg8[%get3A_809, %get3A_810, %get3A_811] {strides = array<i32>} : memref<2x208x128xf32, #tpu.memory_space<vmem>>, vector<1x1x16xf32>,
        %get3A_813 = vector.shape_cast %get3A_812 : vector<1x1x16xf32> to vector<16xf32>
        %mul3A_814 = arith.mulf %get3A_149, %get3A_813 : vector<16xf32>
        %add3A_815 = arith.addf %add3A_805, %mul3A_814 : vector<16xf32>
        %add3A_816 = arith.constant 14 : i32
        %add3A_817 = arith.addi %multiple_of3A, %add3A_816 : i32
        %get3A_818 = arith.constant 0 : i32
        %get3A_819 = arith.index_cast %get3A_818 : i32 to index
        %get3A_820 = arith.index_cast %add3A_817 : i32 to index
        %get3A_821 = arith.constant 48 : index
        %get3A_822 = tpu.vector_load %arg8[%get3A_819, %get3A_820, %get3A_821] {strides = array<i32>} : memref<2x208x128xf32, #tpu.memory_space<vmem>>, vector<1x1x16xf32>,
        %get3A_823 = vector.shape_cast %get3A_822 : vector<1x1x16xf32> to vector<16xf32>
        %mul3A_824 = arith.mulf %get3A_153, %get3A_823 : vector<16xf32>
        %add3A_825 = arith.addf %add3A_815, %mul3A_824 : vector<16xf32>
        %add3A_826 = arith.constant 15 : i32
        %add3A_827 = arith.addi %multiple_of3A, %add3A_826 : i32
        %get3A_828 = arith.constant 0 : i32
        %get3A_829 = arith.index_cast %get3A_828 : i32 to index
        %get3A_830 = arith.index_cast %add3A_827 : i32 to index
        %get3A_831 = arith.constant 0 : index
        %get3A_832 = tpu.vector_load %arg8[%get3A_829, %get3A_830, %get3A_831] {strides = array<i32>} : memref<2x208x128xf32, #tpu.memory_space<vmem>>, vector<1x1x16xf32>,
        %get3A_833 = vector.shape_cast %get3A_832 : vector<1x1x16xf32> to vector<16xf32>
        %mul3A_834 = arith.mulf %get3A_141, %get3A_833 : vector<16xf32>
        %add3A_835 = arith.constant 15 : i32
        %add3A_836 = arith.addi %multiple_of3A, %add3A_835 : i32
        %get3A_837 = arith.constant 0 : i32
        %get3A_838 = arith.index_cast %get3A_837 : i32 to index
        %get3A_839 = arith.index_cast %add3A_836 : i32 to index
        %get3A_840 = arith.constant 16 : index
        %get3A_841 = tpu.vector_load %arg8[%get3A_838, %get3A_839, %get3A_840] {strides = array<i32>} : memref<2x208x128xf32, #tpu.memory_space<vmem>>, vector<1x1x16xf32>,
        %get3A_842 = vector.shape_cast %get3A_841 : vector<1x1x16xf32> to vector<16xf32>
        %mul3A_843 = arith.mulf %get3A_145, %get3A_842 : vector<16xf32>
        %add3A_844 = arith.addf %mul3A_834, %mul3A_843 : vector<16xf32>
        %add3A_845 = arith.constant 15 : i32
        %add3A_846 = arith.addi %multiple_of3A, %add3A_845 : i32
        %get3A_847 = arith.constant 0 : i32
        %get3A_848 = arith.index_cast %get3A_847 : i32 to index
        %get3A_849 = arith.index_cast %add3A_846 : i32 to index
        %get3A_850 = arith.constant 32 : index
        %get3A_851 = tpu.vector_load %arg8[%get3A_848, %get3A_849, %get3A_850] {strides = array<i32>} : memref<2x208x128xf32, #tpu.memory_space<vmem>>, vector<1x1x16xf32>,
        %get3A_852 = vector.shape_cast %get3A_851 : vector<1x1x16xf32> to vector<16xf32>
        %mul3A_853 = arith.mulf %get3A_149, %get3A_852 : vector<16xf32>
        %add3A_854 = arith.addf %add3A_844, %mul3A_853 : vector<16xf32>
        %add3A_855 = arith.constant 15 : i32
        %add3A_856 = arith.addi %multiple_of3A, %add3A_855 : i32
        %get3A_857 = arith.constant 0 : i32
        %get3A_858 = arith.index_cast %get3A_857 : i32 to index
        %get3A_859 = arith.index_cast %add3A_856 : i32 to index
        %get3A_860 = arith.constant 48 : index
        %get3A_861 = tpu.vector_load %arg8[%get3A_858, %get3A_859, %get3A_860] {strides = array<i32>} : memref<2x208x128xf32, #tpu.memory_space<vmem>>, vector<1x1x16xf32>,
        %get3A_862 = vector.shape_cast %get3A_861 : vector<1x1x16xf32> to vector<16xf32>
        %mul3A_863 = arith.mulf %get3A_153, %get3A_862 : vector<16xf32>
        %add3A_864 = arith.addf %add3A_854, %mul3A_863 : vector<16xf32>
        %select_n3A = arith.select %eq3A_17, %add3A_279, %add3A_318 : vector<16xi1>, vector<16xf32>
        %select_n3A_865 = arith.select %eq3A_17, %add3A_318, %add3A_279 : vector<16xi1>, vector<16xf32>
        %broadcast_in_dim3A = vector.shape_cast %xor3A_4 : vector<16xi32> to vector<16x1xi32>
        %gather3A = vector.shape_cast %broadcast_in_dim3A : vector<16x1xi32> to vector<16xi32>
        %gather3A_866 = tpu.dynamic_gather %select_n3A_865[%gather3A] in [0] : vector<16xf32>, vector<16xi32> -> vector<16xf32>
        %add3A_867 = arith.addf %select_n3A, %gather3A_866 : vector<16xf32>
        %select_n3A_868 = arith.select %eq3A_17, %add3A_357, %add3A_396 : vector<16xi1>, vector<16xf32>
        %select_n3A_869 = arith.select %eq3A_17, %add3A_396, %add3A_357 : vector<16xi1>, vector<16xf32>
        %broadcast_in_dim3A_870 = vector.shape_cast %xor3A_4 : vector<16xi32> to vector<16x1xi32>
        %gather3A_871 = vector.shape_cast %broadcast_in_dim3A_870 : vector<16x1xi32> to vector<16xi32>
        %gather3A_872 = tpu.dynamic_gather %select_n3A_869[%gather3A_871] in [0] : vector<16xf32>, vector<16xi32> -> vector<16xf32>
        %add3A_873 = arith.addf %select_n3A_868, %gather3A_872 : vector<16xf32>
        %select_n3A_874 = arith.select %eq3A_17, %add3A_435, %add3A_474 : vector<16xi1>, vector<16xf32>
        %select_n3A_875 = arith.select %eq3A_17, %add3A_474, %add3A_435 : vector<16xi1>, vector<16xf32>
        %broadcast_in_dim3A_876 = vector.shape_cast %xor3A_4 : vector<16xi32> to vector<16x1xi32>
        %gather3A_877 = vector.shape_cast %broadcast_in_dim3A_876 : vector<16x1xi32> to vector<16xi32>
        %gather3A_878 = tpu.dynamic_gather %select_n3A_875[%gather3A_877] in [0] : vector<16xf32>, vector<16xi32> -> vector<16xf32>
        %add3A_879 = arith.addf %select_n3A_874, %gather3A_878 : vector<16xf32>
        %select_n3A_880 = arith.select %eq3A_17, %add3A_513, %add3A_552 : vector<16xi1>, vector<16xf32>
        %select_n3A_881 = arith.select %eq3A_17, %add3A_552, %add3A_513 : vector<16xi1>, vector<16xf32>
        %broadcast_in_dim3A_882 = vector.shape_cast %xor3A_4 : vector<16xi32> to vector<16x1xi32>
        %gather3A_883 = vector.shape_cast %broadcast_in_dim3A_882 : vector<16x1xi32> to vector<16xi32>
        %gather3A_884 = tpu.dynamic_gather %select_n3A_881[%gather3A_883] in [0] : vector<16xf32>, vector<16xi32> -> vector<16xf32>
        %add3A_885 = arith.addf %select_n3A_880, %gather3A_884 : vector<16xf32>
        %select_n3A_886 = arith.select %eq3A_17, %add3A_591, %add3A_630 : vector<16xi1>, vector<16xf32>
        %select_n3A_887 = arith.select %eq3A_17, %add3A_630, %add3A_591 : vector<16xi1>, vector<16xf32>
        %broadcast_in_dim3A_888 = vector.shape_cast %xor3A_4 : vector<16xi32> to vector<16x1xi32>
        %gather3A_889 = vector.shape_cast %broadcast_in_dim3A_888 : vector<16x1xi32> to vector<16xi32>
        %gather3A_890 = tpu.dynamic_gather %select_n3A_887[%gather3A_889] in [0] : vector<16xf32>, vector<16xi32> -> vector<16xf32>
        %add3A_891 = arith.addf %select_n3A_886, %gather3A_890 : vector<16xf32>
        %select_n3A_892 = arith.select %eq3A_17, %add3A_669, %add3A_708 : vector<16xi1>, vector<16xf32>
        %select_n3A_893 = arith.select %eq3A_17, %add3A_708, %add3A_669 : vector<16xi1>, vector<16xf32>
        %broadcast_in_dim3A_894 = vector.shape_cast %xor3A_4 : vector<16xi32> to vector<16x1xi32>
        %gather3A_895 = vector.shape_cast %broadcast_in_dim3A_894 : vector<16x1xi32> to vector<16xi32>
        %gather3A_896 = tpu.dynamic_gather %select_n3A_893[%gather3A_895] in [0] : vector<16xf32>, vector<16xi32> -> vector<16xf32>
        %add3A_897 = arith.addf %select_n3A_892, %gather3A_896 : vector<16xf32>
        %select_n3A_898 = arith.select %eq3A_17, %add3A_747, %add3A_786 : vector<16xi1>, vector<16xf32>
        %select_n3A_899 = arith.select %eq3A_17, %add3A_786, %add3A_747 : vector<16xi1>, vector<16xf32>
        %broadcast_in_dim3A_900 = vector.shape_cast %xor3A_4 : vector<16xi32> to vector<16x1xi32>
        %gather3A_901 = vector.shape_cast %broadcast_in_dim3A_900 : vector<16x1xi32> to vector<16xi32>
        %gather3A_902 = tpu.dynamic_gather %select_n3A_899[%gather3A_901] in [0] : vector<16xf32>, vector<16xi32> -> vector<16xf32>
        %add3A_903 = arith.addf %select_n3A_898, %gather3A_902 : vector<16xf32>
        %select_n3A_904 = arith.select %eq3A_17, %add3A_825, %add3A_864 : vector<16xi1>, vector<16xf32>
        %select_n3A_905 = arith.select %eq3A_17, %add3A_864, %add3A_825 : vector<16xi1>, vector<16xf32>
        %broadcast_in_dim3A_906 = vector.shape_cast %xor3A_4 : vector<16xi32> to vector<16x1xi32>
        %gather3A_907 = vector.shape_cast %broadcast_in_dim3A_906 : vector<16x1xi32> to vector<16xi32>
        %gather3A_908 = tpu.dynamic_gather %select_n3A_905[%gather3A_907] in [0] : vector<16xf32>, vector<16xi32> -> vector<16xf32>
        %add3A_909 = arith.addf %select_n3A_904, %gather3A_908 : vector<16xf32>
        %select_n3A_910 = arith.select %eq3A_23, %add3A_867, %add3A_873 : vector<16xi1>, vector<16xf32>
        %select_n3A_911 = arith.select %eq3A_23, %add3A_873, %add3A_867 : vector<16xi1>, vector<16xf32>
        %broadcast_in_dim3A_912 = vector.shape_cast %xor3A_7 : vector<16xi32> to vector<16x1xi32>
        %gather3A_913 = vector.shape_cast %broadcast_in_dim3A_912 : vector<16x1xi32> to vector<16xi32>
        %gather3A_914 = tpu.dynamic_gather %select_n3A_911[%gather3A_913] in [0] : vector<16xf32>, vector<16xi32> -> vector<16xf32>
        %add3A_915 = arith.addf %select_n3A_910, %gather3A_914 : vector<16xf32>
        %select_n3A_916 = arith.select %eq3A_23, %add3A_879, %add3A_885 : vector<16xi1>, vector<16xf32>
        %select_n3A_917 = arith.select %eq3A_23, %add3A_885, %add3A_879 : vector<16xi1>, vector<16xf32>
        %broadcast_in_dim3A_918 = vector.shape_cast %xor3A_7 : vector<16xi32> to vector<16x1xi32>
        %gather3A_919 = vector.shape_cast %broadcast_in_dim3A_918 : vector<16x1xi32> to vector<16xi32>
        %gather3A_920 = tpu.dynamic_gather %select_n3A_917[%gather3A_919] in [0] : vector<16xf32>, vector<16xi32> -> vector<16xf32>
        %add3A_921 = arith.addf %select_n3A_916, %gather3A_920 : vector<16xf32>
        %select_n3A_922 = arith.select %eq3A_23, %add3A_891, %add3A_897 : vector<16xi1>, vector<16xf32>
        %select_n3A_923 = arith.select %eq3A_23, %add3A_897, %add3A_891 : vector<16xi1>, vector<16xf32>
        %broadcast_in_dim3A_924 = vector.shape_cast %xor3A_7 : vector<16xi32> to vector<16x1xi32>
        %gather3A_925 = vector.shape_cast %broadcast_in_dim3A_924 : vector<16x1xi32> to vector<16xi32>
        %gather3A_926 = tpu.dynamic_gather %select_n3A_923[%gather3A_925] in [0] : vector<16xf32>, vector<16xi32> -> vector<16xf32>
        %add3A_927 = arith.addf %select_n3A_922, %gather3A_926 : vector<16xf32>
        %select_n3A_928 = arith.select %eq3A_23, %add3A_903, %add3A_909 : vector<16xi1>, vector<16xf32>
        %select_n3A_929 = arith.select %eq3A_23, %add3A_909, %add3A_903 : vector<16xi1>, vector<16xf32>
        %broadcast_in_dim3A_930 = vector.shape_cast %xor3A_7 : vector<16xi32> to vector<16x1xi32>
        %gather3A_931 = vector.shape_cast %broadcast_in_dim3A_930 : vector<16x1xi32> to vector<16xi32>
        %gather3A_932 = tpu.dynamic_gather %select_n3A_929[%gather3A_931] in [0] : vector<16xf32>, vector<16xi32> -> vector<16xf32>
        %add3A_933 = arith.addf %select_n3A_928, %gather3A_932 : vector<16xf32>
        %select_n3A_934 = arith.select %eq3A_29, %add3A_915, %add3A_921 : vector<16xi1>, vector<16xf32>
        %select_n3A_935 = arith.select %eq3A_29, %add3A_921, %add3A_915 : vector<16xi1>, vector<16xf32>
        %broadcast_in_dim3A_936 = vector.shape_cast %xor3A_10 : vector<16xi32> to vector<16x1xi32>
        %gather3A_937 = vector.shape_cast %broadcast_in_dim3A_936 : vector<16x1xi32> to vector<16xi32>
        %gather3A_938 = tpu.dynamic_gather %select_n3A_935[%gather3A_937] in [0] : vector<16xf32>, vector<16xi32> -> vector<16xf32>
        %add3A_939 = arith.addf %select_n3A_934, %gather3A_938 : vector<16xf32>
        %select_n3A_940 = arith.select %eq3A_29, %add3A_927, %add3A_933 : vector<16xi1>, vector<16xf32>
        %select_n3A_941 = arith.select %eq3A_29, %add3A_933, %add3A_927 : vector<16xi1>, vector<16xf32>
        %broadcast_in_dim3A_942 = vector.shape_cast %xor3A_10 : vector<16xi32> to vector<16x1xi32>
        %gather3A_943 = vector.shape_cast %broadcast_in_dim3A_942 : vector<16x1xi32> to vector<16xi32>
        %gather3A_944 = tpu.dynamic_gather %select_n3A_941[%gather3A_943] in [0] : vector<16xf32>, vector<16xi32> -> vector<16xf32>
        %add3A_945 = arith.addf %select_n3A_940, %gather3A_944 : vector<16xf32>
        %select_n3A_946 = arith.select %eq3A_35, %add3A_939, %add3A_945 : vector<16xi1>, vector<16xf32>
        %select_n3A_947 = arith.select %eq3A_35, %add3A_945, %add3A_939 : vector<16xi1>, vector<16xf32>
        %broadcast_in_dim3A_948 = vector.shape_cast %xor3A_13 : vector<16xi32> to vector<16x1xi32>
        %gather3A_949 = vector.shape_cast %broadcast_in_dim3A_948 : vector<16x1xi32> to vector<16xi32>
        %gather3A_950 = tpu.dynamic_gather %select_n3A_947[%gather3A_949] in [0] : vector<16xf32>, vector<16xi32> -> vector<16xf32>
        %add3A_951 = arith.addf %select_n3A_946, %gather3A_950 : vector<16xf32>
        %swap3A = arith.constant 0 : i32
        %swap3A_952 = arith.index_cast %swap3A : i32 to index
        %swap3A_953 = arith.index_cast %multiple_of3A : i32 to index
        %swap3A_954 = tpu.vector_load %arg9[%swap3A_952, %swap3A_953] {strides = array<i32>} : memref<2x208xf32, #tpu.memory_space<vmem>>, vector<1x16xf32>,
        %swap3A_955 = vector.shape_cast %swap3A_954 : vector<1x16xf32> to vector<16xf32>
        %swap3A_956 = vector.shape_cast %add3A_951 : vector<16xf32> to vector<1x16xf32>
        tpu.vector_store %arg9[%swap3A_952, %swap3A_953], %swap3A_956 {strides = array<i32>} : memref<2x208xf32, #tpu.memory_space<vmem>>, vector<1x16xf32>,
      }
      %scan3A_159 = arith.constant 13 : i32
      %add3A_160 = arith.addi %mul3A_2, %mul3A_95 : i32
      %dma_start3A_161 = arith.constant 0 : i32
      %dma_start3A_162 = arith.constant 0 : i32
      %dma_start3A_163 = tpu.memref_slice %arg9[%dma_start3A_161, %dma_start3A_162] : memref<2x208xf32, #tpu.memory_space<vmem>> -> memref<1x208xf32, #tpu.memory_space<vmem>>
      %dma_start3A_164 = tpu.memref_squeeze %dma_start3A_163 : memref<1x208xf32, #tpu.memory_space<vmem>> -> memref<208xf32, #tpu.memory_space<vmem>>
      %dma_start3A_165 = arith.constant 0 : i32
      %dma_start3A_166 = tpu.memref_slice %arg5[%add3A_160, %dma_start3A_165] : memref<4096x208xf32, #tpu.memory_space<hbm>> -> memref<1x208xf32, #tpu.memory_space<hbm>>
      %dma_start3A_167 = tpu.memref_squeeze %dma_start3A_166 : memref<1x208xf32, #tpu.memory_space<hbm>> -> memref<208xf32, #tpu.memory_space<hbm>>
      %dma_start3A_168 = arith.constant 0 : i32
      %dma_start3A_169 = tpu.memref_slice %arg5[%add3A_160, %dma_start3A_168] : memref<4096x208xf32, #tpu.memory_space<hbm>> -> memref<1x208xf32, #tpu.memory_space<hbm>>
      %dma_start3A_170 = tpu.memref_squeeze %dma_start3A_169 : memref<1x208xf32, #tpu.memory_space<hbm>> -> memref<208xf32, #tpu.memory_space<hbm>>
      %dma_start3A_171 = arith.constant 0 : i32
      %dma_start3A_172 = tpu.memref_slice %arg9[%dma_start3A_161, %dma_start3A_171] : memref<2x208xf32, #tpu.memory_space<vmem>> -> memref<1x208xf32, #tpu.memory_space<vmem>>
      %dma_start3A_173 = tpu.memref_squeeze %dma_start3A_172 : memref<1x208xf32, #tpu.memory_space<vmem>> -> memref<208xf32, #tpu.memory_space<vmem>>
      tpu.enqueue_dma source(%dma_start3A_173 : memref<208xf32, #tpu.memory_space<vmem>>) target(%dma_start3A_170 : memref<208xf32, #tpu.memory_space<hbm>>) target_semaphore(%arg12 : memref<!tpu.dma_semaphore, #tpu.memory_space<semaphore_mem>>)
      %lt3A = arith.constant 63 : i32
      %lt3A_174 = arith.cmpi slt, %scan3A_93, %lt3A : i32
      %convert_element_type3A_175 = arith.extui %lt3A_174 : i1 to i32
      %cond3A_176 = arith.constant 0 : i32
      %cond3A_177 = arith.cmpi ne, %convert_element_type3A_175, %cond3A_176 : i32
      scf.if %cond3A_177 {
        %add3A_238 = arith.constant 2 : i32
        %add3A_239 = arith.addi %mul3A_95, %add3A_238 : i32
        %dma_start3A_240 = arith.constant 0 : i32
        %dma_start3A_241 = arith.constant 0 : i32
        %dma_start3A_242 = arith.constant 0 : i32
        %dma_start3A_243 = arith.constant 0 : i32
        %dma_start3A_244 = tpu.memref_slice %arg8[%dma_start3A_241, %dma_start3A_242, %dma_start3A_243] : memref<2x208x128xf32, #tpu.memory_space<vmem>> -> memref<1x100x128xf32, #tpu.memory_space<vmem>>
        %dma_start3A_245 = tpu.memref_squeeze %dma_start3A_244 : memref<1x100x128xf32, #tpu.memory_space<vmem>> -> memref<100x128xf32, #tpu.memory_space<vmem>>
        %dma_start3A_246 = arith.constant 0 : i32
        %dma_start3A_247 = tpu.memref_slice %arg6[%add3A_239, %dma_start3A_240, %dma_start3A_246] : memref<128x2x100xi32, #tpu.memory_space<vmem>> -> memref<1x1x100xi32, #tpu.memory_space<vmem>>
        %dma_start3A_248 = tpu.memref_squeeze %dma_start3A_247 : memref<1x1x100xi32, #tpu.memory_space<vmem>> -> memref<100xi32, #tpu.memory_space<vmem>>
        %dma_start3A_249 = arith.constant 0 : i32
        %dma_start3A_250 = arith.constant 0 : i32
        %dma_start3A_251 = tpu.memref_slice %arg4[%dma_start3A_249, %dma_start3A_250] : memref<1000000x128xf32, #tpu.memory_space<hbm>> -> memref<1000000x128xf32, #tpu.memory_space<hbm>>
        tpu.enqueue_indirect_dma source(%dma_start3A_251 : memref<1000000x128xf32, #tpu.memory_space<hbm>>) target(%dma_start3A_245 : memref<100x128xf32, #tpu.memory_space<vmem>>) offsets(%dma_start3A_248 : memref<100xi32, #tpu.memory_space<vmem>>) semaphore(%arg10 : memref<!tpu.dma_semaphore, #tpu.memory_space<semaphore_mem>>)
        %dma_start3A_252 = arith.constant 1 : i32
        %dma_start3A_253 = arith.constant 0 : i32
        %dma_start3A_254 = arith.constant 100 : i32
        %dma_start3A_255 = arith.constant 0 : i32
        %dma_start3A_256 = tpu.memref_slice %arg8[%dma_start3A_253, %dma_start3A_254, %dma_start3A_255] : memref<2x208x128xf32, #tpu.memory_space<vmem>> -> memref<1x100x128xf32, #tpu.memory_space<vmem>>
        %dma_start3A_257 = tpu.memref_squeeze %dma_start3A_256 : memref<1x100x128xf32, #tpu.memory_space<vmem>> -> memref<100x128xf32, #tpu.memory_space<vmem>>
        %dma_start3A_258 = arith.constant 0 : i32
        %dma_start3A_259 = tpu.memref_slice %arg6[%add3A_239, %dma_start3A_252, %dma_start3A_258] : memref<128x2x100xi32, #tpu.memory_space<vmem>> -> memref<1x1x100xi32, #tpu.memory_space<vmem>>
        %dma_start3A_260 = tpu.memref_squeeze %dma_start3A_259 : memref<1x1x100xi32, #tpu.memory_space<vmem>> -> memref<100xi32, #tpu.memory_space<vmem>>
        %dma_start3A_261 = arith.constant 0 : i32
        %dma_start3A_262 = arith.constant 0 : i32
        %dma_start3A_263 = tpu.memref_slice %arg4[%dma_start3A_261, %dma_start3A_262] : memref<1000000x128xf32, #tpu.memory_space<hbm>> -> memref<1000000x128xf32, #tpu.memory_space<hbm>>
        tpu.enqueue_indirect_dma source(%dma_start3A_263 : memref<1000000x128xf32, #tpu.memory_space<hbm>>) target(%dma_start3A_257 : memref<100x128xf32, #tpu.memory_space<vmem>>) offsets(%dma_start3A_260 : memref<100xi32, #tpu.memory_space<vmem>>) semaphore(%arg10 : memref<!tpu.dma_semaphore, #tpu.memory_space<semaphore_mem>>)
      } else {
      }
      %dma_wait3A_178 = arith.constant 1 : i32
      %dma_wait3A_179 = arith.constant 0 : i32
      %dma_wait3A_180 = arith.constant 0 : i32
      %dma_wait3A_181 = tpu.memref_slice %arg8[%dma_wait3A_178, %dma_wait3A_179, %dma_wait3A_180] : memref<2x208x128xf32, #tpu.memory_space<vmem>> -> memref<1x200x128xf32, #tpu.memory_space<vmem>>
      %dma_wait3A_182 = tpu.memref_squeeze %dma_wait3A_181 : memref<1x200x128xf32, #tpu.memory_space<vmem>> -> memref<200x128xf32, #tpu.memory_space<vmem>>
      %dma_wait3A_183 = arith.constant 0 : i32
      %dma_wait3A_184 = arith.constant 0 : i32
      %dma_wait3A_185 = tpu.memref_slice %arg4[%dma_wait3A_183, %dma_wait3A_184] : memref<1000000x128xf32, #tpu.memory_space<hbm>> -> memref<200x128xf32, #tpu.memory_space<hbm>>
      %dma_wait3A_186 = arith.constant 0 : i32
      %dma_wait3A_187 = arith.constant 0 : i32
      %dma_wait3A_188 = tpu.memref_slice %arg8[%dma_wait3A_178, %dma_wait3A_186, %dma_wait3A_187] : memref<2x208x128xf32, #tpu.memory_space<vmem>> -> memref<1x200x128xf32, #tpu.memory_space<vmem>>
      %dma_wait3A_189 = tpu.memref_squeeze %dma_wait3A_188 : memref<1x200x128xf32, #tpu.memory_space<vmem>> -> memref<200x128xf32, #tpu.memory_space<vmem>>
      %dma_wait3A_190 = arith.constant 0 : i32
      %dma_wait3A_191 = arith.constant 0 : i32
      %dma_wait3A_192 = tpu.memref_slice %arg4[%dma_wait3A_190, %dma_wait3A_191] : memref<1000000x128xf32, #tpu.memory_space<hbm>> -> memref<200x128xf32, #tpu.memory_space<hbm>>
      tpu.wait_dma2 semaphore(%arg11 : memref<!tpu.dma_semaphore, #tpu.memory_space<semaphore_mem>>) src(%dma_wait3A_192 : memref<200x128xf32, #tpu.memory_space<hbm>>) dst(%dma_wait3A_189 : memref<200x128xf32, #tpu.memory_space<vmem>>)
      %gt3A_193 = arith.constant 0 : i32
      %gt3A_194 = arith.cmpi sgt, %scan3A_93, %gt3A_193 : i32
      %convert_element_type3A_195 = arith.extui %gt3A_194 : i1 to i32
      %cond3A_196 = arith.constant 0 : i32
      %cond3A_197 = arith.cmpi ne, %convert_element_type3A_195, %cond3A_196 : i32
      scf.if %cond3A_197 {
        %dma_wait3A_238 = arith.constant 0 : i32
        %dma_wait3A_239 = arith.constant 1 : i32
        %dma_wait3A_240 = arith.constant 0 : i32
        %dma_wait3A_241 = tpu.memref_slice %arg9[%dma_wait3A_239, %dma_wait3A_240] : memref<2x208xf32, #tpu.memory_space<vmem>> -> memref<1x208xf32, #tpu.memory_space<vmem>>
        %dma_wait3A_242 = tpu.memref_squeeze %dma_wait3A_241 : memref<1x208xf32, #tpu.memory_space<vmem>> -> memref<208xf32, #tpu.memory_space<vmem>>
        %dma_wait3A_243 = arith.constant 0 : i32
        %dma_wait3A_244 = tpu.memref_slice %arg5[%dma_wait3A_238, %dma_wait3A_243] : memref<4096x208xf32, #tpu.memory_space<hbm>> -> memref<1x208xf32, #tpu.memory_space<hbm>>
        %dma_wait3A_245 = tpu.memref_squeeze %dma_wait3A_244 : memref<1x208xf32, #tpu.memory_space<hbm>> -> memref<208xf32, #tpu.memory_space<hbm>>
        %dma_wait3A_246 = arith.constant 0 : i32
        %dma_wait3A_247 = tpu.memref_slice %arg9[%dma_wait3A_239, %dma_wait3A_246] : memref<2x208xf32, #tpu.memory_space<vmem>> -> memref<1x208xf32, #tpu.memory_space<vmem>>
        %dma_wait3A_248 = tpu.memref_squeeze %dma_wait3A_247 : memref<1x208xf32, #tpu.memory_space<vmem>> -> memref<208xf32, #tpu.memory_space<vmem>>
        %dma_wait3A_249 = arith.constant 0 : i32
        %dma_wait3A_250 = tpu.memref_slice %arg5[%dma_wait3A_238, %dma_wait3A_249] : memref<4096x208xf32, #tpu.memory_space<hbm>> -> memref<1x208xf32, #tpu.memory_space<hbm>>
        %dma_wait3A_251 = tpu.memref_squeeze %dma_wait3A_250 : memref<1x208xf32, #tpu.memory_space<hbm>> -> memref<208xf32, #tpu.memory_space<hbm>>
        tpu.wait_dma2 semaphore(%arg13 : memref<!tpu.dma_semaphore, #tpu.memory_space<semaphore_mem>>) src(%dma_wait3A_251 : memref<208xf32, #tpu.memory_space<hbm>>) dst(%dma_wait3A_248 : memref<208xf32, #tpu.memory_space<vmem>>)
      } else {
      }
      %add3A_198 = arith.constant 1 : i32
      %add3A_199 = arith.addi %mul3A_95, %add3A_198 : i32
      %get3A_200 = arith.index_cast %add3A_199 : i32 to index
      %get3A_201 = arith.constant 0 : index
      %get3A_202 = tpu.vector_load %arg7[%get3A_200, %get3A_201] {strides = array<i32>} : memref<128x64xf32, #tpu.memory_space<vmem>>, vector<1x16xf32>,
      %get3A_203 = vector.shape_cast %get3A_202 : vector<1x16xf32> to vector<16xf32>
      %get3A_204 = arith.index_cast %add3A_199 : i32 to index
      %get3A_205 = arith.constant 16 : index
      %get3A_206 = tpu.vector_load %arg7[%get3A_204, %get3A_205] {strides = array<i32>} : memref<128x64xf32, #tpu.memory_space<vmem>>, vector<1x16xf32>,
      %get3A_207 = vector.shape_cast %get3A_206 : vector<1x16xf32> to vector<16xf32>
      %get3A_208 = arith.index_cast %add3A_199 : i32 to index
      %get3A_209 = arith.constant 32 : index
      %get3A_210 = tpu.vector_load %arg7[%get3A_208, %get3A_209] {strides = array<i32>} : memref<128x64xf32, #tpu.memory_space<vmem>>, vector<1x16xf32>,
      %get3A_211 = vector.shape_cast %get3A_210 : vector<1x16xf32> to vector<16xf32>
      %get3A_212 = arith.index_cast %add3A_199 : i32 to index
      %get3A_213 = arith.constant 48 : index
      %get3A_214 = tpu.vector_load %arg7[%get3A_212, %get3A_213] {strides = array<i32>} : memref<128x64xf32, #tpu.memory_space<vmem>>, vector<1x16xf32>,
      %get3A_215 = vector.shape_cast %get3A_214 : vector<1x16xf32> to vector<16xf32>
      %scan3A_216 = arith.constant 0 : i32
      %scan3A_217 = arith.constant 0 : i32
      %scan3A_218 = arith.constant 13 : i32
      %scan3A_219 = arith.addi %scan3A_217, %scan3A_218 : i32
      %scan3A_220 = arith.constant 1 : i32
      scf.for %scan3A_238 = %scan3A_217 to %scan3A_219 step %scan3A_220  : i32 {
        %mul3A_239 = arith.constant 16 : i32
        %mul3A_240 = arith.muli %scan3A_238, %mul3A_239 : i32
        %multiple_of3A = tpu.assume_multiple %mul3A_240, 16 : i32
        %add3A_241 = arith.constant 0 : i32
        %add3A_242 = arith.addi %multiple_of3A, %add3A_241 : i32
        %get3A_243 = arith.constant 1 : i32
        %get3A_244 = arith.index_cast %get3A_243 : i32 to index
        %get3A_245 = arith.index_cast %add3A_242 : i32 to index
        %get3A_246 = arith.constant 0 : index
        %get3A_247 = tpu.vector_load %arg8[%get3A_244, %get3A_245, %get3A_246] {strides = array<i32>} : memref<2x208x128xf32, #tpu.memory_space<vmem>>, vector<1x1x16xf32>,
        %get3A_248 = vector.shape_cast %get3A_247 : vector<1x1x16xf32> to vector<16xf32>
        %mul3A_249 = arith.mulf %get3A_203, %get3A_248 : vector<16xf32>
        %add3A_250 = arith.constant 0 : i32
        %add3A_251 = arith.addi %multiple_of3A, %add3A_250 : i32
        %get3A_252 = arith.constant 1 : i32
        %get3A_253 = arith.index_cast %get3A_252 : i32 to index
        %get3A_254 = arith.index_cast %add3A_251 : i32 to index
        %get3A_255 = arith.constant 16 : index
        %get3A_256 = tpu.vector_load %arg8[%get3A_253, %get3A_254, %get3A_255] {strides = array<i32>} : memref<2x208x128xf32, #tpu.memory_space<vmem>>, vector<1x1x16xf32>,
        %get3A_257 = vector.shape_cast %get3A_256 : vector<1x1x16xf32> to vector<16xf32>
        %mul3A_258 = arith.mulf %get3A_207, %get3A_257 : vector<16xf32>
        %add3A_259 = arith.addf %mul3A_249, %mul3A_258 : vector<16xf32>
        %add3A_260 = arith.constant 0 : i32
        %add3A_261 = arith.addi %multiple_of3A, %add3A_260 : i32
        %get3A_262 = arith.constant 1 : i32
        %get3A_263 = arith.index_cast %get3A_262 : i32 to index
        %get3A_264 = arith.index_cast %add3A_261 : i32 to index
        %get3A_265 = arith.constant 32 : index
        %get3A_266 = tpu.vector_load %arg8[%get3A_263, %get3A_264, %get3A_265] {strides = array<i32>} : memref<2x208x128xf32, #tpu.memory_space<vmem>>, vector<1x1x16xf32>,
        %get3A_267 = vector.shape_cast %get3A_266 : vector<1x1x16xf32> to vector<16xf32>
        %mul3A_268 = arith.mulf %get3A_211, %get3A_267 : vector<16xf32>
        %add3A_269 = arith.addf %add3A_259, %mul3A_268 : vector<16xf32>
        %add3A_270 = arith.constant 0 : i32
        %add3A_271 = arith.addi %multiple_of3A, %add3A_270 : i32
        %get3A_272 = arith.constant 1 : i32
        %get3A_273 = arith.index_cast %get3A_272 : i32 to index
        %get3A_274 = arith.index_cast %add3A_271 : i32 to index
        %get3A_275 = arith.constant 48 : index
        %get3A_276 = tpu.vector_load %arg8[%get3A_273, %get3A_274, %get3A_275] {strides = array<i32>} : memref<2x208x128xf32, #tpu.memory_space<vmem>>, vector<1x1x16xf32>,
        %get3A_277 = vector.shape_cast %get3A_276 : vector<1x1x16xf32> to vector<16xf32>
        %mul3A_278 = arith.mulf %get3A_215, %get3A_277 : vector<16xf32>
        %add3A_279 = arith.addf %add3A_269, %mul3A_278 : vector<16xf32>
        %add3A_280 = arith.constant 1 : i32
        %add3A_281 = arith.addi %multiple_of3A, %add3A_280 : i32
        %get3A_282 = arith.constant 1 : i32
        %get3A_283 = arith.index_cast %get3A_282 : i32 to index
        %get3A_284 = arith.index_cast %add3A_281 : i32 to index
        %get3A_285 = arith.constant 0 : index
        %get3A_286 = tpu.vector_load %arg8[%get3A_283, %get3A_284, %get3A_285] {strides = array<i32>} : memref<2x208x128xf32, #tpu.memory_space<vmem>>, vector<1x1x16xf32>,
        %get3A_287 = vector.shape_cast %get3A_286 : vector<1x1x16xf32> to vector<16xf32>
        %mul3A_288 = arith.mulf %get3A_203, %get3A_287 : vector<16xf32>
        %add3A_289 = arith.constant 1 : i32
        %add3A_290 = arith.addi %multiple_of3A, %add3A_289 : i32
        %get3A_291 = arith.constant 1 : i32
        %get3A_292 = arith.index_cast %get3A_291 : i32 to index
        %get3A_293 = arith.index_cast %add3A_290 : i32 to index
        %get3A_294 = arith.constant 16 : index
        %get3A_295 = tpu.vector_load %arg8[%get3A_292, %get3A_293, %get3A_294] {strides = array<i32>} : memref<2x208x128xf32, #tpu.memory_space<vmem>>, vector<1x1x16xf32>,
        %get3A_296 = vector.shape_cast %get3A_295 : vector<1x1x16xf32> to vector<16xf32>
        %mul3A_297 = arith.mulf %get3A_207, %get3A_296 : vector<16xf32>
        %add3A_298 = arith.addf %mul3A_288, %mul3A_297 : vector<16xf32>
        %add3A_299 = arith.constant 1 : i32
        %add3A_300 = arith.addi %multiple_of3A, %add3A_299 : i32
        %get3A_301 = arith.constant 1 : i32
        %get3A_302 = arith.index_cast %get3A_301 : i32 to index
        %get3A_303 = arith.index_cast %add3A_300 : i32 to index
        %get3A_304 = arith.constant 32 : index
        %get3A_305 = tpu.vector_load %arg8[%get3A_302, %get3A_303, %get3A_304] {strides = array<i32>} : memref<2x208x128xf32, #tpu.memory_space<vmem>>, vector<1x1x16xf32>,
        %get3A_306 = vector.shape_cast %get3A_305 : vector<1x1x16xf32> to vector<16xf32>
        %mul3A_307 = arith.mulf %get3A_211, %get3A_306 : vector<16xf32>
        %add3A_308 = arith.addf %add3A_298, %mul3A_307 : vector<16xf32>
        %add3A_309 = arith.constant 1 : i32
        %add3A_310 = arith.addi %multiple_of3A, %add3A_309 : i32
        %get3A_311 = arith.constant 1 : i32
        %get3A_312 = arith.index_cast %get3A_311 : i32 to index
        %get3A_313 = arith.index_cast %add3A_310 : i32 to index
        %get3A_314 = arith.constant 48 : index
        %get3A_315 = tpu.vector_load %arg8[%get3A_312, %get3A_313, %get3A_314] {strides = array<i32>} : memref<2x208x128xf32, #tpu.memory_space<vmem>>, vector<1x1x16xf32>,
        %get3A_316 = vector.shape_cast %get3A_315 : vector<1x1x16xf32> to vector<16xf32>
        %mul3A_317 = arith.mulf %get3A_215, %get3A_316 : vector<16xf32>
        %add3A_318 = arith.addf %add3A_308, %mul3A_317 : vector<16xf32>
        %add3A_319 = arith.constant 2 : i32
        %add3A_320 = arith.addi %multiple_of3A, %add3A_319 : i32
        %get3A_321 = arith.constant 1 : i32
        %get3A_322 = arith.index_cast %get3A_321 : i32 to index
        %get3A_323 = arith.index_cast %add3A_320 : i32 to index
        %get3A_324 = arith.constant 0 : index
        %get3A_325 = tpu.vector_load %arg8[%get3A_322, %get3A_323, %get3A_324] {strides = array<i32>} : memref<2x208x128xf32, #tpu.memory_space<vmem>>, vector<1x1x16xf32>,
        %get3A_326 = vector.shape_cast %get3A_325 : vector<1x1x16xf32> to vector<16xf32>
        %mul3A_327 = arith.mulf %get3A_203, %get3A_326 : vector<16xf32>
        %add3A_328 = arith.constant 2 : i32
        %add3A_329 = arith.addi %multiple_of3A, %add3A_328 : i32
        %get3A_330 = arith.constant 1 : i32
        %get3A_331 = arith.index_cast %get3A_330 : i32 to index
        %get3A_332 = arith.index_cast %add3A_329 : i32 to index
        %get3A_333 = arith.constant 16 : index
        %get3A_334 = tpu.vector_load %arg8[%get3A_331, %get3A_332, %get3A_333] {strides = array<i32>} : memref<2x208x128xf32, #tpu.memory_space<vmem>>, vector<1x1x16xf32>,
        %get3A_335 = vector.shape_cast %get3A_334 : vector<1x1x16xf32> to vector<16xf32>
        %mul3A_336 = arith.mulf %get3A_207, %get3A_335 : vector<16xf32>
        %add3A_337 = arith.addf %mul3A_327, %mul3A_336 : vector<16xf32>
        %add3A_338 = arith.constant 2 : i32
        %add3A_339 = arith.addi %multiple_of3A, %add3A_338 : i32
        %get3A_340 = arith.constant 1 : i32
        %get3A_341 = arith.index_cast %get3A_340 : i32 to index
        %get3A_342 = arith.index_cast %add3A_339 : i32 to index
        %get3A_343 = arith.constant 32 : index
        %get3A_344 = tpu.vector_load %arg8[%get3A_341, %get3A_342, %get3A_343] {strides = array<i32>} : memref<2x208x128xf32, #tpu.memory_space<vmem>>, vector<1x1x16xf32>,
        %get3A_345 = vector.shape_cast %get3A_344 : vector<1x1x16xf32> to vector<16xf32>
        %mul3A_346 = arith.mulf %get3A_211, %get3A_345 : vector<16xf32>
        %add3A_347 = arith.addf %add3A_337, %mul3A_346 : vector<16xf32>
        %add3A_348 = arith.constant 2 : i32
        %add3A_349 = arith.addi %multiple_of3A, %add3A_348 : i32
        %get3A_350 = arith.constant 1 : i32
        %get3A_351 = arith.index_cast %get3A_350 : i32 to index
        %get3A_352 = arith.index_cast %add3A_349 : i32 to index
        %get3A_353 = arith.constant 48 : index
        %get3A_354 = tpu.vector_load %arg8[%get3A_351, %get3A_352, %get3A_353] {strides = array<i32>} : memref<2x208x128xf32, #tpu.memory_space<vmem>>, vector<1x1x16xf32>,
        %get3A_355 = vector.shape_cast %get3A_354 : vector<1x1x16xf32> to vector<16xf32>
        %mul3A_356 = arith.mulf %get3A_215, %get3A_355 : vector<16xf32>
        %add3A_357 = arith.addf %add3A_347, %mul3A_356 : vector<16xf32>
        %add3A_358 = arith.constant 3 : i32
        %add3A_359 = arith.addi %multiple_of3A, %add3A_358 : i32
        %get3A_360 = arith.constant 1 : i32
        %get3A_361 = arith.index_cast %get3A_360 : i32 to index
        %get3A_362 = arith.index_cast %add3A_359 : i32 to index
        %get3A_363 = arith.constant 0 : index
        %get3A_364 = tpu.vector_load %arg8[%get3A_361, %get3A_362, %get3A_363] {strides = array<i32>} : memref<2x208x128xf32, #tpu.memory_space<vmem>>, vector<1x1x16xf32>,
        %get3A_365 = vector.shape_cast %get3A_364 : vector<1x1x16xf32> to vector<16xf32>
        %mul3A_366 = arith.mulf %get3A_203, %get3A_365 : vector<16xf32>
        %add3A_367 = arith.constant 3 : i32
        %add3A_368 = arith.addi %multiple_of3A, %add3A_367 : i32
        %get3A_369 = arith.constant 1 : i32
        %get3A_370 = arith.index_cast %get3A_369 : i32 to index
        %get3A_371 = arith.index_cast %add3A_368 : i32 to index
        %get3A_372 = arith.constant 16 : index
        %get3A_373 = tpu.vector_load %arg8[%get3A_370, %get3A_371, %get3A_372] {strides = array<i32>} : memref<2x208x128xf32, #tpu.memory_space<vmem>>, vector<1x1x16xf32>,
        %get3A_374 = vector.shape_cast %get3A_373 : vector<1x1x16xf32> to vector<16xf32>
        %mul3A_375 = arith.mulf %get3A_207, %get3A_374 : vector<16xf32>
        %add3A_376 = arith.addf %mul3A_366, %mul3A_375 : vector<16xf32>
        %add3A_377 = arith.constant 3 : i32
        %add3A_378 = arith.addi %multiple_of3A, %add3A_377 : i32
        %get3A_379 = arith.constant 1 : i32
        %get3A_380 = arith.index_cast %get3A_379 : i32 to index
        %get3A_381 = arith.index_cast %add3A_378 : i32 to index
        %get3A_382 = arith.constant 32 : index
        %get3A_383 = tpu.vector_load %arg8[%get3A_380, %get3A_381, %get3A_382] {strides = array<i32>} : memref<2x208x128xf32, #tpu.memory_space<vmem>>, vector<1x1x16xf32>,
        %get3A_384 = vector.shape_cast %get3A_383 : vector<1x1x16xf32> to vector<16xf32>
        %mul3A_385 = arith.mulf %get3A_211, %get3A_384 : vector<16xf32>
        %add3A_386 = arith.addf %add3A_376, %mul3A_385 : vector<16xf32>
        %add3A_387 = arith.constant 3 : i32
        %add3A_388 = arith.addi %multiple_of3A, %add3A_387 : i32
        %get3A_389 = arith.constant 1 : i32
        %get3A_390 = arith.index_cast %get3A_389 : i32 to index
        %get3A_391 = arith.index_cast %add3A_388 : i32 to index
        %get3A_392 = arith.constant 48 : index
        %get3A_393 = tpu.vector_load %arg8[%get3A_390, %get3A_391, %get3A_392] {strides = array<i32>} : memref<2x208x128xf32, #tpu.memory_space<vmem>>, vector<1x1x16xf32>,
        %get3A_394 = vector.shape_cast %get3A_393 : vector<1x1x16xf32> to vector<16xf32>
        %mul3A_395 = arith.mulf %get3A_215, %get3A_394 : vector<16xf32>
        %add3A_396 = arith.addf %add3A_386, %mul3A_395 : vector<16xf32>
        %add3A_397 = arith.constant 4 : i32
        %add3A_398 = arith.addi %multiple_of3A, %add3A_397 : i32
        %get3A_399 = arith.constant 1 : i32
        %get3A_400 = arith.index_cast %get3A_399 : i32 to index
        %get3A_401 = arith.index_cast %add3A_398 : i32 to index
        %get3A_402 = arith.constant 0 : index
        %get3A_403 = tpu.vector_load %arg8[%get3A_400, %get3A_401, %get3A_402] {strides = array<i32>} : memref<2x208x128xf32, #tpu.memory_space<vmem>>, vector<1x1x16xf32>,
        %get3A_404 = vector.shape_cast %get3A_403 : vector<1x1x16xf32> to vector<16xf32>
        %mul3A_405 = arith.mulf %get3A_203, %get3A_404 : vector<16xf32>
        %add3A_406 = arith.constant 4 : i32
        %add3A_407 = arith.addi %multiple_of3A, %add3A_406 : i32
        %get3A_408 = arith.constant 1 : i32
        %get3A_409 = arith.index_cast %get3A_408 : i32 to index
        %get3A_410 = arith.index_cast %add3A_407 : i32 to index
        %get3A_411 = arith.constant 16 : index
        %get3A_412 = tpu.vector_load %arg8[%get3A_409, %get3A_410, %get3A_411] {strides = array<i32>} : memref<2x208x128xf32, #tpu.memory_space<vmem>>, vector<1x1x16xf32>,
        %get3A_413 = vector.shape_cast %get3A_412 : vector<1x1x16xf32> to vector<16xf32>
        %mul3A_414 = arith.mulf %get3A_207, %get3A_413 : vector<16xf32>
        %add3A_415 = arith.addf %mul3A_405, %mul3A_414 : vector<16xf32>
        %add3A_416 = arith.constant 4 : i32
        %add3A_417 = arith.addi %multiple_of3A, %add3A_416 : i32
        %get3A_418 = arith.constant 1 : i32
        %get3A_419 = arith.index_cast %get3A_418 : i32 to index
        %get3A_420 = arith.index_cast %add3A_417 : i32 to index
        %get3A_421 = arith.constant 32 : index
        %get3A_422 = tpu.vector_load %arg8[%get3A_419, %get3A_420, %get3A_421] {strides = array<i32>} : memref<2x208x128xf32, #tpu.memory_space<vmem>>, vector<1x1x16xf32>,
        %get3A_423 = vector.shape_cast %get3A_422 : vector<1x1x16xf32> to vector<16xf32>
        %mul3A_424 = arith.mulf %get3A_211, %get3A_423 : vector<16xf32>
        %add3A_425 = arith.addf %add3A_415, %mul3A_424 : vector<16xf32>
        %add3A_426 = arith.constant 4 : i32
        %add3A_427 = arith.addi %multiple_of3A, %add3A_426 : i32
        %get3A_428 = arith.constant 1 : i32
        %get3A_429 = arith.index_cast %get3A_428 : i32 to index
        %get3A_430 = arith.index_cast %add3A_427 : i32 to index
        %get3A_431 = arith.constant 48 : index
        %get3A_432 = tpu.vector_load %arg8[%get3A_429, %get3A_430, %get3A_431] {strides = array<i32>} : memref<2x208x128xf32, #tpu.memory_space<vmem>>, vector<1x1x16xf32>,
        %get3A_433 = vector.shape_cast %get3A_432 : vector<1x1x16xf32> to vector<16xf32>
        %mul3A_434 = arith.mulf %get3A_215, %get3A_433 : vector<16xf32>
        %add3A_435 = arith.addf %add3A_425, %mul3A_434 : vector<16xf32>
        %add3A_436 = arith.constant 5 : i32
        %add3A_437 = arith.addi %multiple_of3A, %add3A_436 : i32
        %get3A_438 = arith.constant 1 : i32
        %get3A_439 = arith.index_cast %get3A_438 : i32 to index
        %get3A_440 = arith.index_cast %add3A_437 : i32 to index
        %get3A_441 = arith.constant 0 : index
        %get3A_442 = tpu.vector_load %arg8[%get3A_439, %get3A_440, %get3A_441] {strides = array<i32>} : memref<2x208x128xf32, #tpu.memory_space<vmem>>, vector<1x1x16xf32>,
        %get3A_443 = vector.shape_cast %get3A_442 : vector<1x1x16xf32> to vector<16xf32>
        %mul3A_444 = arith.mulf %get3A_203, %get3A_443 : vector<16xf32>
        %add3A_445 = arith.constant 5 : i32
        %add3A_446 = arith.addi %multiple_of3A, %add3A_445 : i32
        %get3A_447 = arith.constant 1 : i32
        %get3A_448 = arith.index_cast %get3A_447 : i32 to index
        %get3A_449 = arith.index_cast %add3A_446 : i32 to index
        %get3A_450 = arith.constant 16 : index
        %get3A_451 = tpu.vector_load %arg8[%get3A_448, %get3A_449, %get3A_450] {strides = array<i32>} : memref<2x208x128xf32, #tpu.memory_space<vmem>>, vector<1x1x16xf32>,
        %get3A_452 = vector.shape_cast %get3A_451 : vector<1x1x16xf32> to vector<16xf32>
        %mul3A_453 = arith.mulf %get3A_207, %get3A_452 : vector<16xf32>
        %add3A_454 = arith.addf %mul3A_444, %mul3A_453 : vector<16xf32>
        %add3A_455 = arith.constant 5 : i32
        %add3A_456 = arith.addi %multiple_of3A, %add3A_455 : i32
        %get3A_457 = arith.constant 1 : i32
        %get3A_458 = arith.index_cast %get3A_457 : i32 to index
        %get3A_459 = arith.index_cast %add3A_456 : i32 to index
        %get3A_460 = arith.constant 32 : index
        %get3A_461 = tpu.vector_load %arg8[%get3A_458, %get3A_459, %get3A_460] {strides = array<i32>} : memref<2x208x128xf32, #tpu.memory_space<vmem>>, vector<1x1x16xf32>,
        %get3A_462 = vector.shape_cast %get3A_461 : vector<1x1x16xf32> to vector<16xf32>
        %mul3A_463 = arith.mulf %get3A_211, %get3A_462 : vector<16xf32>
        %add3A_464 = arith.addf %add3A_454, %mul3A_463 : vector<16xf32>
        %add3A_465 = arith.constant 5 : i32
        %add3A_466 = arith.addi %multiple_of3A, %add3A_465 : i32
        %get3A_467 = arith.constant 1 : i32
        %get3A_468 = arith.index_cast %get3A_467 : i32 to index
        %get3A_469 = arith.index_cast %add3A_466 : i32 to index
        %get3A_470 = arith.constant 48 : index
        %get3A_471 = tpu.vector_load %arg8[%get3A_468, %get3A_469, %get3A_470] {strides = array<i32>} : memref<2x208x128xf32, #tpu.memory_space<vmem>>, vector<1x1x16xf32>,
        %get3A_472 = vector.shape_cast %get3A_471 : vector<1x1x16xf32> to vector<16xf32>
        %mul3A_473 = arith.mulf %get3A_215, %get3A_472 : vector<16xf32>
        %add3A_474 = arith.addf %add3A_464, %mul3A_473 : vector<16xf32>
        %add3A_475 = arith.constant 6 : i32
        %add3A_476 = arith.addi %multiple_of3A, %add3A_475 : i32
        %get3A_477 = arith.constant 1 : i32
        %get3A_478 = arith.index_cast %get3A_477 : i32 to index
        %get3A_479 = arith.index_cast %add3A_476 : i32 to index
        %get3A_480 = arith.constant 0 : index
        %get3A_481 = tpu.vector_load %arg8[%get3A_478, %get3A_479, %get3A_480] {strides = array<i32>} : memref<2x208x128xf32, #tpu.memory_space<vmem>>, vector<1x1x16xf32>,
        %get3A_482 = vector.shape_cast %get3A_481 : vector<1x1x16xf32> to vector<16xf32>
        %mul3A_483 = arith.mulf %get3A_203, %get3A_482 : vector<16xf32>
        %add3A_484 = arith.constant 6 : i32
        %add3A_485 = arith.addi %multiple_of3A, %add3A_484 : i32
        %get3A_486 = arith.constant 1 : i32
        %get3A_487 = arith.index_cast %get3A_486 : i32 to index
        %get3A_488 = arith.index_cast %add3A_485 : i32 to index
        %get3A_489 = arith.constant 16 : index
        %get3A_490 = tpu.vector_load %arg8[%get3A_487, %get3A_488, %get3A_489] {strides = array<i32>} : memref<2x208x128xf32, #tpu.memory_space<vmem>>, vector<1x1x16xf32>,
        %get3A_491 = vector.shape_cast %get3A_490 : vector<1x1x16xf32> to vector<16xf32>
        %mul3A_492 = arith.mulf %get3A_207, %get3A_491 : vector<16xf32>
        %add3A_493 = arith.addf %mul3A_483, %mul3A_492 : vector<16xf32>
        %add3A_494 = arith.constant 6 : i32
        %add3A_495 = arith.addi %multiple_of3A, %add3A_494 : i32
        %get3A_496 = arith.constant 1 : i32
        %get3A_497 = arith.index_cast %get3A_496 : i32 to index
        %get3A_498 = arith.index_cast %add3A_495 : i32 to index
        %get3A_499 = arith.constant 32 : index
        %get3A_500 = tpu.vector_load %arg8[%get3A_497, %get3A_498, %get3A_499] {strides = array<i32>} : memref<2x208x128xf32, #tpu.memory_space<vmem>>, vector<1x1x16xf32>,
        %get3A_501 = vector.shape_cast %get3A_500 : vector<1x1x16xf32> to vector<16xf32>
        %mul3A_502 = arith.mulf %get3A_211, %get3A_501 : vector<16xf32>
        %add3A_503 = arith.addf %add3A_493, %mul3A_502 : vector<16xf32>
        %add3A_504 = arith.constant 6 : i32
        %add3A_505 = arith.addi %multiple_of3A, %add3A_504 : i32
        %get3A_506 = arith.constant 1 : i32
        %get3A_507 = arith.index_cast %get3A_506 : i32 to index
        %get3A_508 = arith.index_cast %add3A_505 : i32 to index
        %get3A_509 = arith.constant 48 : index
        %get3A_510 = tpu.vector_load %arg8[%get3A_507, %get3A_508, %get3A_509] {strides = array<i32>} : memref<2x208x128xf32, #tpu.memory_space<vmem>>, vector<1x1x16xf32>,
        %get3A_511 = vector.shape_cast %get3A_510 : vector<1x1x16xf32> to vector<16xf32>
        %mul3A_512 = arith.mulf %get3A_215, %get3A_511 : vector<16xf32>
        %add3A_513 = arith.addf %add3A_503, %mul3A_512 : vector<16xf32>
        %add3A_514 = arith.constant 7 : i32
        %add3A_515 = arith.addi %multiple_of3A, %add3A_514 : i32
        %get3A_516 = arith.constant 1 : i32
        %get3A_517 = arith.index_cast %get3A_516 : i32 to index
        %get3A_518 = arith.index_cast %add3A_515 : i32 to index
        %get3A_519 = arith.constant 0 : index
        %get3A_520 = tpu.vector_load %arg8[%get3A_517, %get3A_518, %get3A_519] {strides = array<i32>} : memref<2x208x128xf32, #tpu.memory_space<vmem>>, vector<1x1x16xf32>,
        %get3A_521 = vector.shape_cast %get3A_520 : vector<1x1x16xf32> to vector<16xf32>
        %mul3A_522 = arith.mulf %get3A_203, %get3A_521 : vector<16xf32>
        %add3A_523 = arith.constant 7 : i32
        %add3A_524 = arith.addi %multiple_of3A, %add3A_523 : i32
        %get3A_525 = arith.constant 1 : i32
        %get3A_526 = arith.index_cast %get3A_525 : i32 to index
        %get3A_527 = arith.index_cast %add3A_524 : i32 to index
        %get3A_528 = arith.constant 16 : index
        %get3A_529 = tpu.vector_load %arg8[%get3A_526, %get3A_527, %get3A_528] {strides = array<i32>} : memref<2x208x128xf32, #tpu.memory_space<vmem>>, vector<1x1x16xf32>,
        %get3A_530 = vector.shape_cast %get3A_529 : vector<1x1x16xf32> to vector<16xf32>
        %mul3A_531 = arith.mulf %get3A_207, %get3A_530 : vector<16xf32>
        %add3A_532 = arith.addf %mul3A_522, %mul3A_531 : vector<16xf32>
        %add3A_533 = arith.constant 7 : i32
        %add3A_534 = arith.addi %multiple_of3A, %add3A_533 : i32
        %get3A_535 = arith.constant 1 : i32
        %get3A_536 = arith.index_cast %get3A_535 : i32 to index
        %get3A_537 = arith.index_cast %add3A_534 : i32 to index
        %get3A_538 = arith.constant 32 : index
        %get3A_539 = tpu.vector_load %arg8[%get3A_536, %get3A_537, %get3A_538] {strides = array<i32>} : memref<2x208x128xf32, #tpu.memory_space<vmem>>, vector<1x1x16xf32>,
        %get3A_540 = vector.shape_cast %get3A_539 : vector<1x1x16xf32> to vector<16xf32>
        %mul3A_541 = arith.mulf %get3A_211, %get3A_540 : vector<16xf32>
        %add3A_542 = arith.addf %add3A_532, %mul3A_541 : vector<16xf32>
        %add3A_543 = arith.constant 7 : i32
        %add3A_544 = arith.addi %multiple_of3A, %add3A_543 : i32
        %get3A_545 = arith.constant 1 : i32
        %get3A_546 = arith.index_cast %get3A_545 : i32 to index
        %get3A_547 = arith.index_cast %add3A_544 : i32 to index
        %get3A_548 = arith.constant 48 : index
        %get3A_549 = tpu.vector_load %arg8[%get3A_546, %get3A_547, %get3A_548] {strides = array<i32>} : memref<2x208x128xf32, #tpu.memory_space<vmem>>, vector<1x1x16xf32>,
        %get3A_550 = vector.shape_cast %get3A_549 : vector<1x1x16xf32> to vector<16xf32>
        %mul3A_551 = arith.mulf %get3A_215, %get3A_550 : vector<16xf32>
        %add3A_552 = arith.addf %add3A_542, %mul3A_551 : vector<16xf32>
        %add3A_553 = arith.constant 8 : i32
        %add3A_554 = arith.addi %multiple_of3A, %add3A_553 : i32
        %get3A_555 = arith.constant 1 : i32
        %get3A_556 = arith.index_cast %get3A_555 : i32 to index
        %get3A_557 = arith.index_cast %add3A_554 : i32 to index
        %get3A_558 = arith.constant 0 : index
        %get3A_559 = tpu.vector_load %arg8[%get3A_556, %get3A_557, %get3A_558] {strides = array<i32>} : memref<2x208x128xf32, #tpu.memory_space<vmem>>, vector<1x1x16xf32>,
        %get3A_560 = vector.shape_cast %get3A_559 : vector<1x1x16xf32> to vector<16xf32>
        %mul3A_561 = arith.mulf %get3A_203, %get3A_560 : vector<16xf32>
        %add3A_562 = arith.constant 8 : i32
        %add3A_563 = arith.addi %multiple_of3A, %add3A_562 : i32
        %get3A_564 = arith.constant 1 : i32
        %get3A_565 = arith.index_cast %get3A_564 : i32 to index
        %get3A_566 = arith.index_cast %add3A_563 : i32 to index
        %get3A_567 = arith.constant 16 : index
        %get3A_568 = tpu.vector_load %arg8[%get3A_565, %get3A_566, %get3A_567] {strides = array<i32>} : memref<2x208x128xf32, #tpu.memory_space<vmem>>, vector<1x1x16xf32>,
        %get3A_569 = vector.shape_cast %get3A_568 : vector<1x1x16xf32> to vector<16xf32>
        %mul3A_570 = arith.mulf %get3A_207, %get3A_569 : vector<16xf32>
        %add3A_571 = arith.addf %mul3A_561, %mul3A_570 : vector<16xf32>
        %add3A_572 = arith.constant 8 : i32
        %add3A_573 = arith.addi %multiple_of3A, %add3A_572 : i32
        %get3A_574 = arith.constant 1 : i32
        %get3A_575 = arith.index_cast %get3A_574 : i32 to index
        %get3A_576 = arith.index_cast %add3A_573 : i32 to index
        %get3A_577 = arith.constant 32 : index
        %get3A_578 = tpu.vector_load %arg8[%get3A_575, %get3A_576, %get3A_577] {strides = array<i32>} : memref<2x208x128xf32, #tpu.memory_space<vmem>>, vector<1x1x16xf32>,
        %get3A_579 = vector.shape_cast %get3A_578 : vector<1x1x16xf32> to vector<16xf32>
        %mul3A_580 = arith.mulf %get3A_211, %get3A_579 : vector<16xf32>
        %add3A_581 = arith.addf %add3A_571, %mul3A_580 : vector<16xf32>
        %add3A_582 = arith.constant 8 : i32
        %add3A_583 = arith.addi %multiple_of3A, %add3A_582 : i32
        %get3A_584 = arith.constant 1 : i32
        %get3A_585 = arith.index_cast %get3A_584 : i32 to index
        %get3A_586 = arith.index_cast %add3A_583 : i32 to index
        %get3A_587 = arith.constant 48 : index
        %get3A_588 = tpu.vector_load %arg8[%get3A_585, %get3A_586, %get3A_587] {strides = array<i32>} : memref<2x208x128xf32, #tpu.memory_space<vmem>>, vector<1x1x16xf32>,
        %get3A_589 = vector.shape_cast %get3A_588 : vector<1x1x16xf32> to vector<16xf32>
        %mul3A_590 = arith.mulf %get3A_215, %get3A_589 : vector<16xf32>
        %add3A_591 = arith.addf %add3A_581, %mul3A_590 : vector<16xf32>
        %add3A_592 = arith.constant 9 : i32
        %add3A_593 = arith.addi %multiple_of3A, %add3A_592 : i32
        %get3A_594 = arith.constant 1 : i32
        %get3A_595 = arith.index_cast %get3A_594 : i32 to index
        %get3A_596 = arith.index_cast %add3A_593 : i32 to index
        %get3A_597 = arith.constant 0 : index
        %get3A_598 = tpu.vector_load %arg8[%get3A_595, %get3A_596, %get3A_597] {strides = array<i32>} : memref<2x208x128xf32, #tpu.memory_space<vmem>>, vector<1x1x16xf32>,
        %get3A_599 = vector.shape_cast %get3A_598 : vector<1x1x16xf32> to vector<16xf32>
        %mul3A_600 = arith.mulf %get3A_203, %get3A_599 : vector<16xf32>
        %add3A_601 = arith.constant 9 : i32
        %add3A_602 = arith.addi %multiple_of3A, %add3A_601 : i32
        %get3A_603 = arith.constant 1 : i32
        %get3A_604 = arith.index_cast %get3A_603 : i32 to index
        %get3A_605 = arith.index_cast %add3A_602 : i32 to index
        %get3A_606 = arith.constant 16 : index
        %get3A_607 = tpu.vector_load %arg8[%get3A_604, %get3A_605, %get3A_606] {strides = array<i32>} : memref<2x208x128xf32, #tpu.memory_space<vmem>>, vector<1x1x16xf32>,
        %get3A_608 = vector.shape_cast %get3A_607 : vector<1x1x16xf32> to vector<16xf32>
        %mul3A_609 = arith.mulf %get3A_207, %get3A_608 : vector<16xf32>
        %add3A_610 = arith.addf %mul3A_600, %mul3A_609 : vector<16xf32>
        %add3A_611 = arith.constant 9 : i32
        %add3A_612 = arith.addi %multiple_of3A, %add3A_611 : i32
        %get3A_613 = arith.constant 1 : i32
        %get3A_614 = arith.index_cast %get3A_613 : i32 to index
        %get3A_615 = arith.index_cast %add3A_612 : i32 to index
        %get3A_616 = arith.constant 32 : index
        %get3A_617 = tpu.vector_load %arg8[%get3A_614, %get3A_615, %get3A_616] {strides = array<i32>} : memref<2x208x128xf32, #tpu.memory_space<vmem>>, vector<1x1x16xf32>,
        %get3A_618 = vector.shape_cast %get3A_617 : vector<1x1x16xf32> to vector<16xf32>
        %mul3A_619 = arith.mulf %get3A_211, %get3A_618 : vector<16xf32>
        %add3A_620 = arith.addf %add3A_610, %mul3A_619 : vector<16xf32>
        %add3A_621 = arith.constant 9 : i32
        %add3A_622 = arith.addi %multiple_of3A, %add3A_621 : i32
        %get3A_623 = arith.constant 1 : i32
        %get3A_624 = arith.index_cast %get3A_623 : i32 to index
        %get3A_625 = arith.index_cast %add3A_622 : i32 to index
        %get3A_626 = arith.constant 48 : index
        %get3A_627 = tpu.vector_load %arg8[%get3A_624, %get3A_625, %get3A_626] {strides = array<i32>} : memref<2x208x128xf32, #tpu.memory_space<vmem>>, vector<1x1x16xf32>,
        %get3A_628 = vector.shape_cast %get3A_627 : vector<1x1x16xf32> to vector<16xf32>
        %mul3A_629 = arith.mulf %get3A_215, %get3A_628 : vector<16xf32>
        %add3A_630 = arith.addf %add3A_620, %mul3A_629 : vector<16xf32>
        %add3A_631 = arith.constant 10 : i32
        %add3A_632 = arith.addi %multiple_of3A, %add3A_631 : i32
        %get3A_633 = arith.constant 1 : i32
        %get3A_634 = arith.index_cast %get3A_633 : i32 to index
        %get3A_635 = arith.index_cast %add3A_632 : i32 to index
        %get3A_636 = arith.constant 0 : index
        %get3A_637 = tpu.vector_load %arg8[%get3A_634, %get3A_635, %get3A_636] {strides = array<i32>} : memref<2x208x128xf32, #tpu.memory_space<vmem>>, vector<1x1x16xf32>,
        %get3A_638 = vector.shape_cast %get3A_637 : vector<1x1x16xf32> to vector<16xf32>
        %mul3A_639 = arith.mulf %get3A_203, %get3A_638 : vector<16xf32>
        %add3A_640 = arith.constant 10 : i32
        %add3A_641 = arith.addi %multiple_of3A, %add3A_640 : i32
        %get3A_642 = arith.constant 1 : i32
        %get3A_643 = arith.index_cast %get3A_642 : i32 to index
        %get3A_644 = arith.index_cast %add3A_641 : i32 to index
        %get3A_645 = arith.constant 16 : index
        %get3A_646 = tpu.vector_load %arg8[%get3A_643, %get3A_644, %get3A_645] {strides = array<i32>} : memref<2x208x128xf32, #tpu.memory_space<vmem>>, vector<1x1x16xf32>,
        %get3A_647 = vector.shape_cast %get3A_646 : vector<1x1x16xf32> to vector<16xf32>
        %mul3A_648 = arith.mulf %get3A_207, %get3A_647 : vector<16xf32>
        %add3A_649 = arith.addf %mul3A_639, %mul3A_648 : vector<16xf32>
        %add3A_650 = arith.constant 10 : i32
        %add3A_651 = arith.addi %multiple_of3A, %add3A_650 : i32
        %get3A_652 = arith.constant 1 : i32
        %get3A_653 = arith.index_cast %get3A_652 : i32 to index
        %get3A_654 = arith.index_cast %add3A_651 : i32 to index
        %get3A_655 = arith.constant 32 : index
        %get3A_656 = tpu.vector_load %arg8[%get3A_653, %get3A_654, %get3A_655] {strides = array<i32>} : memref<2x208x128xf32, #tpu.memory_space<vmem>>, vector<1x1x16xf32>,
        %get3A_657 = vector.shape_cast %get3A_656 : vector<1x1x16xf32> to vector<16xf32>
        %mul3A_658 = arith.mulf %get3A_211, %get3A_657 : vector<16xf32>
        %add3A_659 = arith.addf %add3A_649, %mul3A_658 : vector<16xf32>
        %add3A_660 = arith.constant 10 : i32
        %add3A_661 = arith.addi %multiple_of3A, %add3A_660 : i32
        %get3A_662 = arith.constant 1 : i32
        %get3A_663 = arith.index_cast %get3A_662 : i32 to index
        %get3A_664 = arith.index_cast %add3A_661 : i32 to index
        %get3A_665 = arith.constant 48 : index
        %get3A_666 = tpu.vector_load %arg8[%get3A_663, %get3A_664, %get3A_665] {strides = array<i32>} : memref<2x208x128xf32, #tpu.memory_space<vmem>>, vector<1x1x16xf32>,
        %get3A_667 = vector.shape_cast %get3A_666 : vector<1x1x16xf32> to vector<16xf32>
        %mul3A_668 = arith.mulf %get3A_215, %get3A_667 : vector<16xf32>
        %add3A_669 = arith.addf %add3A_659, %mul3A_668 : vector<16xf32>
        %add3A_670 = arith.constant 11 : i32
        %add3A_671 = arith.addi %multiple_of3A, %add3A_670 : i32
        %get3A_672 = arith.constant 1 : i32
        %get3A_673 = arith.index_cast %get3A_672 : i32 to index
        %get3A_674 = arith.index_cast %add3A_671 : i32 to index
        %get3A_675 = arith.constant 0 : index
        %get3A_676 = tpu.vector_load %arg8[%get3A_673, %get3A_674, %get3A_675] {strides = array<i32>} : memref<2x208x128xf32, #tpu.memory_space<vmem>>, vector<1x1x16xf32>,
        %get3A_677 = vector.shape_cast %get3A_676 : vector<1x1x16xf32> to vector<16xf32>
        %mul3A_678 = arith.mulf %get3A_203, %get3A_677 : vector<16xf32>
        %add3A_679 = arith.constant 11 : i32
        %add3A_680 = arith.addi %multiple_of3A, %add3A_679 : i32
        %get3A_681 = arith.constant 1 : i32
        %get3A_682 = arith.index_cast %get3A_681 : i32 to index
        %get3A_683 = arith.index_cast %add3A_680 : i32 to index
        %get3A_684 = arith.constant 16 : index
        %get3A_685 = tpu.vector_load %arg8[%get3A_682, %get3A_683, %get3A_684] {strides = array<i32>} : memref<2x208x128xf32, #tpu.memory_space<vmem>>, vector<1x1x16xf32>,
        %get3A_686 = vector.shape_cast %get3A_685 : vector<1x1x16xf32> to vector<16xf32>
        %mul3A_687 = arith.mulf %get3A_207, %get3A_686 : vector<16xf32>
        %add3A_688 = arith.addf %mul3A_678, %mul3A_687 : vector<16xf32>
        %add3A_689 = arith.constant 11 : i32
        %add3A_690 = arith.addi %multiple_of3A, %add3A_689 : i32
        %get3A_691 = arith.constant 1 : i32
        %get3A_692 = arith.index_cast %get3A_691 : i32 to index
        %get3A_693 = arith.index_cast %add3A_690 : i32 to index
        %get3A_694 = arith.constant 32 : index
        %get3A_695 = tpu.vector_load %arg8[%get3A_692, %get3A_693, %get3A_694] {strides = array<i32>} : memref<2x208x128xf32, #tpu.memory_space<vmem>>, vector<1x1x16xf32>,
        %get3A_696 = vector.shape_cast %get3A_695 : vector<1x1x16xf32> to vector<16xf32>
        %mul3A_697 = arith.mulf %get3A_211, %get3A_696 : vector<16xf32>
        %add3A_698 = arith.addf %add3A_688, %mul3A_697 : vector<16xf32>
        %add3A_699 = arith.constant 11 : i32
        %add3A_700 = arith.addi %multiple_of3A, %add3A_699 : i32
        %get3A_701 = arith.constant 1 : i32
        %get3A_702 = arith.index_cast %get3A_701 : i32 to index
        %get3A_703 = arith.index_cast %add3A_700 : i32 to index
        %get3A_704 = arith.constant 48 : index
        %get3A_705 = tpu.vector_load %arg8[%get3A_702, %get3A_703, %get3A_704] {strides = array<i32>} : memref<2x208x128xf32, #tpu.memory_space<vmem>>, vector<1x1x16xf32>,
        %get3A_706 = vector.shape_cast %get3A_705 : vector<1x1x16xf32> to vector<16xf32>
        %mul3A_707 = arith.mulf %get3A_215, %get3A_706 : vector<16xf32>
        %add3A_708 = arith.addf %add3A_698, %mul3A_707 : vector<16xf32>
        %add3A_709 = arith.constant 12 : i32
        %add3A_710 = arith.addi %multiple_of3A, %add3A_709 : i32
        %get3A_711 = arith.constant 1 : i32
        %get3A_712 = arith.index_cast %get3A_711 : i32 to index
        %get3A_713 = arith.index_cast %add3A_710 : i32 to index
        %get3A_714 = arith.constant 0 : index
        %get3A_715 = tpu.vector_load %arg8[%get3A_712, %get3A_713, %get3A_714] {strides = array<i32>} : memref<2x208x128xf32, #tpu.memory_space<vmem>>, vector<1x1x16xf32>,
        %get3A_716 = vector.shape_cast %get3A_715 : vector<1x1x16xf32> to vector<16xf32>
        %mul3A_717 = arith.mulf %get3A_203, %get3A_716 : vector<16xf32>
        %add3A_718 = arith.constant 12 : i32
        %add3A_719 = arith.addi %multiple_of3A, %add3A_718 : i32
        %get3A_720 = arith.constant 1 : i32
        %get3A_721 = arith.index_cast %get3A_720 : i32 to index
        %get3A_722 = arith.index_cast %add3A_719 : i32 to index
        %get3A_723 = arith.constant 16 : index
        %get3A_724 = tpu.vector_load %arg8[%get3A_721, %get3A_722, %get3A_723] {strides = array<i32>} : memref<2x208x128xf32, #tpu.memory_space<vmem>>, vector<1x1x16xf32>,
        %get3A_725 = vector.shape_cast %get3A_724 : vector<1x1x16xf32> to vector<16xf32>
        %mul3A_726 = arith.mulf %get3A_207, %get3A_725 : vector<16xf32>
        %add3A_727 = arith.addf %mul3A_717, %mul3A_726 : vector<16xf32>
        %add3A_728 = arith.constant 12 : i32
        %add3A_729 = arith.addi %multiple_of3A, %add3A_728 : i32
        %get3A_730 = arith.constant 1 : i32
        %get3A_731 = arith.index_cast %get3A_730 : i32 to index
        %get3A_732 = arith.index_cast %add3A_729 : i32 to index
        %get3A_733 = arith.constant 32 : index
        %get3A_734 = tpu.vector_load %arg8[%get3A_731, %get3A_732, %get3A_733] {strides = array<i32>} : memref<2x208x128xf32, #tpu.memory_space<vmem>>, vector<1x1x16xf32>,
        %get3A_735 = vector.shape_cast %get3A_734 : vector<1x1x16xf32> to vector<16xf32>
        %mul3A_736 = arith.mulf %get3A_211, %get3A_735 : vector<16xf32>
        %add3A_737 = arith.addf %add3A_727, %mul3A_736 : vector<16xf32>
        %add3A_738 = arith.constant 12 : i32
        %add3A_739 = arith.addi %multiple_of3A, %add3A_738 : i32
        %get3A_740 = arith.constant 1 : i32
        %get3A_741 = arith.index_cast %get3A_740 : i32 to index
        %get3A_742 = arith.index_cast %add3A_739 : i32 to index
        %get3A_743 = arith.constant 48 : index
        %get3A_744 = tpu.vector_load %arg8[%get3A_741, %get3A_742, %get3A_743] {strides = array<i32>} : memref<2x208x128xf32, #tpu.memory_space<vmem>>, vector<1x1x16xf32>,
        %get3A_745 = vector.shape_cast %get3A_744 : vector<1x1x16xf32> to vector<16xf32>
        %mul3A_746 = arith.mulf %get3A_215, %get3A_745 : vector<16xf32>
        %add3A_747 = arith.addf %add3A_737, %mul3A_746 : vector<16xf32>
        %add3A_748 = arith.constant 13 : i32
        %add3A_749 = arith.addi %multiple_of3A, %add3A_748 : i32
        %get3A_750 = arith.constant 1 : i32
        %get3A_751 = arith.index_cast %get3A_750 : i32 to index
        %get3A_752 = arith.index_cast %add3A_749 : i32 to index
        %get3A_753 = arith.constant 0 : index
        %get3A_754 = tpu.vector_load %arg8[%get3A_751, %get3A_752, %get3A_753] {strides = array<i32>} : memref<2x208x128xf32, #tpu.memory_space<vmem>>, vector<1x1x16xf32>,
        %get3A_755 = vector.shape_cast %get3A_754 : vector<1x1x16xf32> to vector<16xf32>
        %mul3A_756 = arith.mulf %get3A_203, %get3A_755 : vector<16xf32>
        %add3A_757 = arith.constant 13 : i32
        %add3A_758 = arith.addi %multiple_of3A, %add3A_757 : i32
        %get3A_759 = arith.constant 1 : i32
        %get3A_760 = arith.index_cast %get3A_759 : i32 to index
        %get3A_761 = arith.index_cast %add3A_758 : i32 to index
        %get3A_762 = arith.constant 16 : index
        %get3A_763 = tpu.vector_load %arg8[%get3A_760, %get3A_761, %get3A_762] {strides = array<i32>} : memref<2x208x128xf32, #tpu.memory_space<vmem>>, vector<1x1x16xf32>,
        %get3A_764 = vector.shape_cast %get3A_763 : vector<1x1x16xf32> to vector<16xf32>
        %mul3A_765 = arith.mulf %get3A_207, %get3A_764 : vector<16xf32>
        %add3A_766 = arith.addf %mul3A_756, %mul3A_765 : vector<16xf32>
        %add3A_767 = arith.constant 13 : i32
        %add3A_768 = arith.addi %multiple_of3A, %add3A_767 : i32
        %get3A_769 = arith.constant 1 : i32
        %get3A_770 = arith.index_cast %get3A_769 : i32 to index
        %get3A_771 = arith.index_cast %add3A_768 : i32 to index
        %get3A_772 = arith.constant 32 : index
        %get3A_773 = tpu.vector_load %arg8[%get3A_770, %get3A_771, %get3A_772] {strides = array<i32>} : memref<2x208x128xf32, #tpu.memory_space<vmem>>, vector<1x1x16xf32>,
        %get3A_774 = vector.shape_cast %get3A_773 : vector<1x1x16xf32> to vector<16xf32>
        %mul3A_775 = arith.mulf %get3A_211, %get3A_774 : vector<16xf32>
        %add3A_776 = arith.addf %add3A_766, %mul3A_775 : vector<16xf32>
        %add3A_777 = arith.constant 13 : i32
        %add3A_778 = arith.addi %multiple_of3A, %add3A_777 : i32
        %get3A_779 = arith.constant 1 : i32
        %get3A_780 = arith.index_cast %get3A_779 : i32 to index
        %get3A_781 = arith.index_cast %add3A_778 : i32 to index
        %get3A_782 = arith.constant 48 : index
        %get3A_783 = tpu.vector_load %arg8[%get3A_780, %get3A_781, %get3A_782] {strides = array<i32>} : memref<2x208x128xf32, #tpu.memory_space<vmem>>, vector<1x1x16xf32>,
        %get3A_784 = vector.shape_cast %get3A_783 : vector<1x1x16xf32> to vector<16xf32>
        %mul3A_785 = arith.mulf %get3A_215, %get3A_784 : vector<16xf32>
        %add3A_786 = arith.addf %add3A_776, %mul3A_785 : vector<16xf32>
        %add3A_787 = arith.constant 14 : i32
        %add3A_788 = arith.addi %multiple_of3A, %add3A_787 : i32
        %get3A_789 = arith.constant 1 : i32
        %get3A_790 = arith.index_cast %get3A_789 : i32 to index
        %get3A_791 = arith.index_cast %add3A_788 : i32 to index
        %get3A_792 = arith.constant 0 : index
        %get3A_793 = tpu.vector_load %arg8[%get3A_790, %get3A_791, %get3A_792] {strides = array<i32>} : memref<2x208x128xf32, #tpu.memory_space<vmem>>, vector<1x1x16xf32>,
        %get3A_794 = vector.shape_cast %get3A_793 : vector<1x1x16xf32> to vector<16xf32>
        %mul3A_795 = arith.mulf %get3A_203, %get3A_794 : vector<16xf32>
        %add3A_796 = arith.constant 14 : i32
        %add3A_797 = arith.addi %multiple_of3A, %add3A_796 : i32
        %get3A_798 = arith.constant 1 : i32
        %get3A_799 = arith.index_cast %get3A_798 : i32 to index
        %get3A_800 = arith.index_cast %add3A_797 : i32 to index
        %get3A_801 = arith.constant 16 : index
        %get3A_802 = tpu.vector_load %arg8[%get3A_799, %get3A_800, %get3A_801] {strides = array<i32>} : memref<2x208x128xf32, #tpu.memory_space<vmem>>, vector<1x1x16xf32>,
        %get3A_803 = vector.shape_cast %get3A_802 : vector<1x1x16xf32> to vector<16xf32>
        %mul3A_804 = arith.mulf %get3A_207, %get3A_803 : vector<16xf32>
        %add3A_805 = arith.addf %mul3A_795, %mul3A_804 : vector<16xf32>
        %add3A_806 = arith.constant 14 : i32
        %add3A_807 = arith.addi %multiple_of3A, %add3A_806 : i32
        %get3A_808 = arith.constant 1 : i32
        %get3A_809 = arith.index_cast %get3A_808 : i32 to index
        %get3A_810 = arith.index_cast %add3A_807 : i32 to index
        %get3A_811 = arith.constant 32 : index
        %get3A_812 = tpu.vector_load %arg8[%get3A_809, %get3A_810, %get3A_811] {strides = array<i32>} : memref<2x208x128xf32, #tpu.memory_space<vmem>>, vector<1x1x16xf32>,
        %get3A_813 = vector.shape_cast %get3A_812 : vector<1x1x16xf32> to vector<16xf32>
        %mul3A_814 = arith.mulf %get3A_211, %get3A_813 : vector<16xf32>
        %add3A_815 = arith.addf %add3A_805, %mul3A_814 : vector<16xf32>
        %add3A_816 = arith.constant 14 : i32
        %add3A_817 = arith.addi %multiple_of3A, %add3A_816 : i32
        %get3A_818 = arith.constant 1 : i32
        %get3A_819 = arith.index_cast %get3A_818 : i32 to index
        %get3A_820 = arith.index_cast %add3A_817 : i32 to index
        %get3A_821 = arith.constant 48 : index
        %get3A_822 = tpu.vector_load %arg8[%get3A_819, %get3A_820, %get3A_821] {strides = array<i32>} : memref<2x208x128xf32, #tpu.memory_space<vmem>>, vector<1x1x16xf32>,
        %get3A_823 = vector.shape_cast %get3A_822 : vector<1x1x16xf32> to vector<16xf32>
        %mul3A_824 = arith.mulf %get3A_215, %get3A_823 : vector<16xf32>
        %add3A_825 = arith.addf %add3A_815, %mul3A_824 : vector<16xf32>
        %add3A_826 = arith.constant 15 : i32
        %add3A_827 = arith.addi %multiple_of3A, %add3A_826 : i32
        %get3A_828 = arith.constant 1 : i32
        %get3A_829 = arith.index_cast %get3A_828 : i32 to index
        %get3A_830 = arith.index_cast %add3A_827 : i32 to index
        %get3A_831 = arith.constant 0 : index
        %get3A_832 = tpu.vector_load %arg8[%get3A_829, %get3A_830, %get3A_831] {strides = array<i32>} : memref<2x208x128xf32, #tpu.memory_space<vmem>>, vector<1x1x16xf32>,
        %get3A_833 = vector.shape_cast %get3A_832 : vector<1x1x16xf32> to vector<16xf32>
        %mul3A_834 = arith.mulf %get3A_203, %get3A_833 : vector<16xf32>
        %add3A_835 = arith.constant 15 : i32
        %add3A_836 = arith.addi %multiple_of3A, %add3A_835 : i32
        %get3A_837 = arith.constant 1 : i32
        %get3A_838 = arith.index_cast %get3A_837 : i32 to index
        %get3A_839 = arith.index_cast %add3A_836 : i32 to index
        %get3A_840 = arith.constant 16 : index
        %get3A_841 = tpu.vector_load %arg8[%get3A_838, %get3A_839, %get3A_840] {strides = array<i32>} : memref<2x208x128xf32, #tpu.memory_space<vmem>>, vector<1x1x16xf32>,
        %get3A_842 = vector.shape_cast %get3A_841 : vector<1x1x16xf32> to vector<16xf32>
        %mul3A_843 = arith.mulf %get3A_207, %get3A_842 : vector<16xf32>
        %add3A_844 = arith.addf %mul3A_834, %mul3A_843 : vector<16xf32>
        %add3A_845 = arith.constant 15 : i32
        %add3A_846 = arith.addi %multiple_of3A, %add3A_845 : i32
        %get3A_847 = arith.constant 1 : i32
        %get3A_848 = arith.index_cast %get3A_847 : i32 to index
        %get3A_849 = arith.index_cast %add3A_846 : i32 to index
        %get3A_850 = arith.constant 32 : index
        %get3A_851 = tpu.vector_load %arg8[%get3A_848, %get3A_849, %get3A_850] {strides = array<i32>} : memref<2x208x128xf32, #tpu.memory_space<vmem>>, vector<1x1x16xf32>,
        %get3A_852 = vector.shape_cast %get3A_851 : vector<1x1x16xf32> to vector<16xf32>
        %mul3A_853 = arith.mulf %get3A_211, %get3A_852 : vector<16xf32>
        %add3A_854 = arith.addf %add3A_844, %mul3A_853 : vector<16xf32>
        %add3A_855 = arith.constant 15 : i32
        %add3A_856 = arith.addi %multiple_of3A, %add3A_855 : i32
        %get3A_857 = arith.constant 1 : i32
        %get3A_858 = arith.index_cast %get3A_857 : i32 to index
        %get3A_859 = arith.index_cast %add3A_856 : i32 to index
        %get3A_860 = arith.constant 48 : index
        %get3A_861 = tpu.vector_load %arg8[%get3A_858, %get3A_859, %get3A_860] {strides = array<i32>} : memref<2x208x128xf32, #tpu.memory_space<vmem>>, vector<1x1x16xf32>,
        %get3A_862 = vector.shape_cast %get3A_861 : vector<1x1x16xf32> to vector<16xf32>
        %mul3A_863 = arith.mulf %get3A_215, %get3A_862 : vector<16xf32>
        %add3A_864 = arith.addf %add3A_854, %mul3A_863 : vector<16xf32>
        %select_n3A = arith.select %eq3A_17, %add3A_279, %add3A_318 : vector<16xi1>, vector<16xf32>
        %select_n3A_865 = arith.select %eq3A_17, %add3A_318, %add3A_279 : vector<16xi1>, vector<16xf32>
        %broadcast_in_dim3A = vector.shape_cast %xor3A_4 : vector<16xi32> to vector<16x1xi32>
        %gather3A = vector.shape_cast %broadcast_in_dim3A : vector<16x1xi32> to vector<16xi32>
        %gather3A_866 = tpu.dynamic_gather %select_n3A_865[%gather3A] in [0] : vector<16xf32>, vector<16xi32> -> vector<16xf32>
        %add3A_867 = arith.addf %select_n3A, %gather3A_866 : vector<16xf32>
        %select_n3A_868 = arith.select %eq3A_17, %add3A_357, %add3A_396 : vector<16xi1>, vector<16xf32>
        %select_n3A_869 = arith.select %eq3A_17, %add3A_396, %add3A_357 : vector<16xi1>, vector<16xf32>
        %broadcast_in_dim3A_870 = vector.shape_cast %xor3A_4 : vector<16xi32> to vector<16x1xi32>
        %gather3A_871 = vector.shape_cast %broadcast_in_dim3A_870 : vector<16x1xi32> to vector<16xi32>
        %gather3A_872 = tpu.dynamic_gather %select_n3A_869[%gather3A_871] in [0] : vector<16xf32>, vector<16xi32> -> vector<16xf32>
        %add3A_873 = arith.addf %select_n3A_868, %gather3A_872 : vector<16xf32>
        %select_n3A_874 = arith.select %eq3A_17, %add3A_435, %add3A_474 : vector<16xi1>, vector<16xf32>
        %select_n3A_875 = arith.select %eq3A_17, %add3A_474, %add3A_435 : vector<16xi1>, vector<16xf32>
        %broadcast_in_dim3A_876 = vector.shape_cast %xor3A_4 : vector<16xi32> to vector<16x1xi32>
        %gather3A_877 = vector.shape_cast %broadcast_in_dim3A_876 : vector<16x1xi32> to vector<16xi32>
        %gather3A_878 = tpu.dynamic_gather %select_n3A_875[%gather3A_877] in [0] : vector<16xf32>, vector<16xi32> -> vector<16xf32>
        %add3A_879 = arith.addf %select_n3A_874, %gather3A_878 : vector<16xf32>
        %select_n3A_880 = arith.select %eq3A_17, %add3A_513, %add3A_552 : vector<16xi1>, vector<16xf32>
        %select_n3A_881 = arith.select %eq3A_17, %add3A_552, %add3A_513 : vector<16xi1>, vector<16xf32>
        %broadcast_in_dim3A_882 = vector.shape_cast %xor3A_4 : vector<16xi32> to vector<16x1xi32>
        %gather3A_883 = vector.shape_cast %broadcast_in_dim3A_882 : vector<16x1xi32> to vector<16xi32>
        %gather3A_884 = tpu.dynamic_gather %select_n3A_881[%gather3A_883] in [0] : vector<16xf32>, vector<16xi32> -> vector<16xf32>
        %add3A_885 = arith.addf %select_n3A_880, %gather3A_884 : vector<16xf32>
        %select_n3A_886 = arith.select %eq3A_17, %add3A_591, %add3A_630 : vector<16xi1>, vector<16xf32>
        %select_n3A_887 = arith.select %eq3A_17, %add3A_630, %add3A_591 : vector<16xi1>, vector<16xf32>
        %broadcast_in_dim3A_888 = vector.shape_cast %xor3A_4 : vector<16xi32> to vector<16x1xi32>
        %gather3A_889 = vector.shape_cast %broadcast_in_dim3A_888 : vector<16x1xi32> to vector<16xi32>
        %gather3A_890 = tpu.dynamic_gather %select_n3A_887[%gather3A_889] in [0] : vector<16xf32>, vector<16xi32> -> vector<16xf32>
        %add3A_891 = arith.addf %select_n3A_886, %gather3A_890 : vector<16xf32>
        %select_n3A_892 = arith.select %eq3A_17, %add3A_669, %add3A_708 : vector<16xi1>, vector<16xf32>
        %select_n3A_893 = arith.select %eq3A_17, %add3A_708, %add3A_669 : vector<16xi1>, vector<16xf32>
        %broadcast_in_dim3A_894 = vector.shape_cast %xor3A_4 : vector<16xi32> to vector<16x1xi32>
        %gather3A_895 = vector.shape_cast %broadcast_in_dim3A_894 : vector<16x1xi32> to vector<16xi32>
        %gather3A_896 = tpu.dynamic_gather %select_n3A_893[%gather3A_895] in [0] : vector<16xf32>, vector<16xi32> -> vector<16xf32>
        %add3A_897 = arith.addf %select_n3A_892, %gather3A_896 : vector<16xf32>
        %select_n3A_898 = arith.select %eq3A_17, %add3A_747, %add3A_786 : vector<16xi1>, vector<16xf32>
        %select_n3A_899 = arith.select %eq3A_17, %add3A_786, %add3A_747 : vector<16xi1>, vector<16xf32>
        %broadcast_in_dim3A_900 = vector.shape_cast %xor3A_4 : vector<16xi32> to vector<16x1xi32>
        %gather3A_901 = vector.shape_cast %broadcast_in_dim3A_900 : vector<16x1xi32> to vector<16xi32>
        %gather3A_902 = tpu.dynamic_gather %select_n3A_899[%gather3A_901] in [0] : vector<16xf32>, vector<16xi32> -> vector<16xf32>
        %add3A_903 = arith.addf %select_n3A_898, %gather3A_902 : vector<16xf32>
        %select_n3A_904 = arith.select %eq3A_17, %add3A_825, %add3A_864 : vector<16xi1>, vector<16xf32>
        %select_n3A_905 = arith.select %eq3A_17, %add3A_864, %add3A_825 : vector<16xi1>, vector<16xf32>
        %broadcast_in_dim3A_906 = vector.shape_cast %xor3A_4 : vector<16xi32> to vector<16x1xi32>
        %gather3A_907 = vector.shape_cast %broadcast_in_dim3A_906 : vector<16x1xi32> to vector<16xi32>
        %gather3A_908 = tpu.dynamic_gather %select_n3A_905[%gather3A_907] in [0] : vector<16xf32>, vector<16xi32> -> vector<16xf32>
        %add3A_909 = arith.addf %select_n3A_904, %gather3A_908 : vector<16xf32>
        %select_n3A_910 = arith.select %eq3A_23, %add3A_867, %add3A_873 : vector<16xi1>, vector<16xf32>
        %select_n3A_911 = arith.select %eq3A_23, %add3A_873, %add3A_867 : vector<16xi1>, vector<16xf32>
        %broadcast_in_dim3A_912 = vector.shape_cast %xor3A_7 : vector<16xi32> to vector<16x1xi32>
        %gather3A_913 = vector.shape_cast %broadcast_in_dim3A_912 : vector<16x1xi32> to vector<16xi32>
        %gather3A_914 = tpu.dynamic_gather %select_n3A_911[%gather3A_913] in [0] : vector<16xf32>, vector<16xi32> -> vector<16xf32>
        %add3A_915 = arith.addf %select_n3A_910, %gather3A_914 : vector<16xf32>
        %select_n3A_916 = arith.select %eq3A_23, %add3A_879, %add3A_885 : vector<16xi1>, vector<16xf32>
        %select_n3A_917 = arith.select %eq3A_23, %add3A_885, %add3A_879 : vector<16xi1>, vector<16xf32>
        %broadcast_in_dim3A_918 = vector.shape_cast %xor3A_7 : vector<16xi32> to vector<16x1xi32>
        %gather3A_919 = vector.shape_cast %broadcast_in_dim3A_918 : vector<16x1xi32> to vector<16xi32>
        %gather3A_920 = tpu.dynamic_gather %select_n3A_917[%gather3A_919] in [0] : vector<16xf32>, vector<16xi32> -> vector<16xf32>
        %add3A_921 = arith.addf %select_n3A_916, %gather3A_920 : vector<16xf32>
        %select_n3A_922 = arith.select %eq3A_23, %add3A_891, %add3A_897 : vector<16xi1>, vector<16xf32>
        %select_n3A_923 = arith.select %eq3A_23, %add3A_897, %add3A_891 : vector<16xi1>, vector<16xf32>
        %broadcast_in_dim3A_924 = vector.shape_cast %xor3A_7 : vector<16xi32> to vector<16x1xi32>
        %gather3A_925 = vector.shape_cast %broadcast_in_dim3A_924 : vector<16x1xi32> to vector<16xi32>
        %gather3A_926 = tpu.dynamic_gather %select_n3A_923[%gather3A_925] in [0] : vector<16xf32>, vector<16xi32> -> vector<16xf32>
        %add3A_927 = arith.addf %select_n3A_922, %gather3A_926 : vector<16xf32>
        %select_n3A_928 = arith.select %eq3A_23, %add3A_903, %add3A_909 : vector<16xi1>, vector<16xf32>
        %select_n3A_929 = arith.select %eq3A_23, %add3A_909, %add3A_903 : vector<16xi1>, vector<16xf32>
        %broadcast_in_dim3A_930 = vector.shape_cast %xor3A_7 : vector<16xi32> to vector<16x1xi32>
        %gather3A_931 = vector.shape_cast %broadcast_in_dim3A_930 : vector<16x1xi32> to vector<16xi32>
        %gather3A_932 = tpu.dynamic_gather %select_n3A_929[%gather3A_931] in [0] : vector<16xf32>, vector<16xi32> -> vector<16xf32>
        %add3A_933 = arith.addf %select_n3A_928, %gather3A_932 : vector<16xf32>
        %select_n3A_934 = arith.select %eq3A_29, %add3A_915, %add3A_921 : vector<16xi1>, vector<16xf32>
        %select_n3A_935 = arith.select %eq3A_29, %add3A_921, %add3A_915 : vector<16xi1>, vector<16xf32>
        %broadcast_in_dim3A_936 = vector.shape_cast %xor3A_10 : vector<16xi32> to vector<16x1xi32>
        %gather3A_937 = vector.shape_cast %broadcast_in_dim3A_936 : vector<16x1xi32> to vector<16xi32>
        %gather3A_938 = tpu.dynamic_gather %select_n3A_935[%gather3A_937] in [0] : vector<16xf32>, vector<16xi32> -> vector<16xf32>
        %add3A_939 = arith.addf %select_n3A_934, %gather3A_938 : vector<16xf32>
        %select_n3A_940 = arith.select %eq3A_29, %add3A_927, %add3A_933 : vector<16xi1>, vector<16xf32>
        %select_n3A_941 = arith.select %eq3A_29, %add3A_933, %add3A_927 : vector<16xi1>, vector<16xf32>
        %broadcast_in_dim3A_942 = vector.shape_cast %xor3A_10 : vector<16xi32> to vector<16x1xi32>
        %gather3A_943 = vector.shape_cast %broadcast_in_dim3A_942 : vector<16x1xi32> to vector<16xi32>
        %gather3A_944 = tpu.dynamic_gather %select_n3A_941[%gather3A_943] in [0] : vector<16xf32>, vector<16xi32> -> vector<16xf32>
        %add3A_945 = arith.addf %select_n3A_940, %gather3A_944 : vector<16xf32>
        %select_n3A_946 = arith.select %eq3A_35, %add3A_939, %add3A_945 : vector<16xi1>, vector<16xf32>
        %select_n3A_947 = arith.select %eq3A_35, %add3A_945, %add3A_939 : vector<16xi1>, vector<16xf32>
        %broadcast_in_dim3A_948 = vector.shape_cast %xor3A_13 : vector<16xi32> to vector<16x1xi32>
        %gather3A_949 = vector.shape_cast %broadcast_in_dim3A_948 : vector<16x1xi32> to vector<16xi32>
        %gather3A_950 = tpu.dynamic_gather %select_n3A_947[%gather3A_949] in [0] : vector<16xf32>, vector<16xi32> -> vector<16xf32>
        %add3A_951 = arith.addf %select_n3A_946, %gather3A_950 : vector<16xf32>
        %swap3A = arith.constant 1 : i32
        %swap3A_952 = arith.index_cast %swap3A : i32 to index
        %swap3A_953 = arith.index_cast %multiple_of3A : i32 to index
        %swap3A_954 = tpu.vector_load %arg9[%swap3A_952, %swap3A_953] {strides = array<i32>} : memref<2x208xf32, #tpu.memory_space<vmem>>, vector<1x16xf32>,
        %swap3A_955 = vector.shape_cast %swap3A_954 : vector<1x16xf32> to vector<16xf32>
        %swap3A_956 = vector.shape_cast %add3A_951 : vector<16xf32> to vector<1x16xf32>
        tpu.vector_store %arg9[%swap3A_952, %swap3A_953], %swap3A_956 {strides = array<i32>} : memref<2x208xf32, #tpu.memory_space<vmem>>, vector<1x16xf32>,
      }
      %scan3A_221 = arith.constant 13 : i32
      %add3A_222 = arith.constant 1 : i32
      %add3A_223 = arith.addi %mul3A_95, %add3A_222 : i32
      %add3A_224 = arith.addi %mul3A_2, %add3A_223 : i32
      %dma_start3A_225 = arith.constant 1 : i32
      %dma_start3A_226 = arith.constant 0 : i32
      %dma_start3A_227 = tpu.memref_slice %arg9[%dma_start3A_225, %dma_start3A_226] : memref<2x208xf32, #tpu.memory_space<vmem>> -> memref<1x208xf32, #tpu.memory_space<vmem>>
      %dma_start3A_228 = tpu.memref_squeeze %dma_start3A_227 : memref<1x208xf32, #tpu.memory_space<vmem>> -> memref<208xf32, #tpu.memory_space<vmem>>
      %dma_start3A_229 = arith.constant 0 : i32
      %dma_start3A_230 = tpu.memref_slice %arg5[%add3A_224, %dma_start3A_229] : memref<4096x208xf32, #tpu.memory_space<hbm>> -> memref<1x208xf32, #tpu.memory_space<hbm>>
      %dma_start3A_231 = tpu.memref_squeeze %dma_start3A_230 : memref<1x208xf32, #tpu.memory_space<hbm>> -> memref<208xf32, #tpu.memory_space<hbm>>
      %dma_start3A_232 = arith.constant 0 : i32
      %dma_start3A_233 = tpu.memref_slice %arg5[%add3A_224, %dma_start3A_232] : memref<4096x208xf32, #tpu.memory_space<hbm>> -> memref<1x208xf32, #tpu.memory_space<hbm>>
      %dma_start3A_234 = tpu.memref_squeeze %dma_start3A_233 : memref<1x208xf32, #tpu.memory_space<hbm>> -> memref<208xf32, #tpu.memory_space<hbm>>
      %dma_start3A_235 = arith.constant 0 : i32
      %dma_start3A_236 = tpu.memref_slice %arg9[%dma_start3A_225, %dma_start3A_235] : memref<2x208xf32, #tpu.memory_space<vmem>> -> memref<1x208xf32, #tpu.memory_space<vmem>>
      %dma_start3A_237 = tpu.memref_squeeze %dma_start3A_236 : memref<1x208xf32, #tpu.memory_space<vmem>> -> memref<208xf32, #tpu.memory_space<vmem>>
      tpu.enqueue_dma source(%dma_start3A_237 : memref<208xf32, #tpu.memory_space<vmem>>) target(%dma_start3A_234 : memref<208xf32, #tpu.memory_space<hbm>>) target_semaphore(%arg13 : memref<!tpu.dma_semaphore, #tpu.memory_space<semaphore_mem>>)
    }
    %scan3A_65 = arith.constant 64 : i32
    %dma_wait3A = arith.constant 0 : i32
    %dma_wait3A_66 = arith.constant 0 : i32
    %dma_wait3A_67 = arith.constant 0 : i32
    %dma_wait3A_68 = tpu.memref_slice %arg9[%dma_wait3A_66, %dma_wait3A_67] : memref<2x208xf32, #tpu.memory_space<vmem>> -> memref<1x208xf32, #tpu.memory_space<vmem>>
    %dma_wait3A_69 = tpu.memref_squeeze %dma_wait3A_68 : memref<1x208xf32, #tpu.memory_space<vmem>> -> memref<208xf32, #tpu.memory_space<vmem>>
    %dma_wait3A_70 = arith.constant 0 : i32
    %dma_wait3A_71 = tpu.memref_slice %arg5[%dma_wait3A, %dma_wait3A_70] : memref<4096x208xf32, #tpu.memory_space<hbm>> -> memref<1x208xf32, #tpu.memory_space<hbm>>
    %dma_wait3A_72 = tpu.memref_squeeze %dma_wait3A_71 : memref<1x208xf32, #tpu.memory_space<hbm>> -> memref<208xf32, #tpu.memory_space<hbm>>
    %dma_wait3A_73 = arith.constant 0 : i32
    %dma_wait3A_74 = tpu.memref_slice %arg9[%dma_wait3A_66, %dma_wait3A_73] : memref<2x208xf32, #tpu.memory_space<vmem>> -> memref<1x208xf32, #tpu.memory_space<vmem>>
    %dma_wait3A_75 = tpu.memref_squeeze %dma_wait3A_74 : memref<1x208xf32, #tpu.memory_space<vmem>> -> memref<208xf32, #tpu.memory_space<vmem>>
    %dma_wait3A_76 = arith.constant 0 : i32
    %dma_wait3A_77 = tpu.memref_slice %arg5[%dma_wait3A, %dma_wait3A_76] : memref<4096x208xf32, #tpu.memory_space<hbm>> -> memref<1x208xf32, #tpu.memory_space<hbm>>
    %dma_wait3A_78 = tpu.memref_squeeze %dma_wait3A_77 : memref<1x208xf32, #tpu.memory_space<hbm>> -> memref<208xf32, #tpu.memory_space<hbm>>
    tpu.wait_dma2 semaphore(%arg12 : memref<!tpu.dma_semaphore, #tpu.memory_space<semaphore_mem>>) src(%dma_wait3A_78 : memref<208xf32, #tpu.memory_space<hbm>>) dst(%dma_wait3A_75 : memref<208xf32, #tpu.memory_space<vmem>>)
    %dma_wait3A_79 = arith.constant 0 : i32
    %dma_wait3A_80 = arith.constant 1 : i32
    %dma_wait3A_81 = arith.constant 0 : i32
    %dma_wait3A_82 = tpu.memref_slice %arg9[%dma_wait3A_80, %dma_wait3A_81] : memref<2x208xf32, #tpu.memory_space<vmem>> -> memref<1x208xf32, #tpu.memory_space<vmem>>
    %dma_wait3A_83 = tpu.memref_squeeze %dma_wait3A_82 : memref<1x208xf32, #tpu.memory_space<vmem>> -> memref<208xf32, #tpu.memory_space<vmem>>
    %dma_wait3A_84 = arith.constant 0 : i32
    %dma_wait3A_85 = tpu.memref_slice %arg5[%dma_wait3A_79, %dma_wait3A_84] : memref<4096x208xf32, #tpu.memory_space<hbm>> -> memref<1x208xf32, #tpu.memory_space<hbm>>
    %dma_wait3A_86 = tpu.memref_squeeze %dma_wait3A_85 : memref<1x208xf32, #tpu.memory_space<hbm>> -> memref<208xf32, #tpu.memory_space<hbm>>
    %dma_wait3A_87 = arith.constant 0 : i32
    %dma_wait3A_88 = tpu.memref_slice %arg9[%dma_wait3A_80, %dma_wait3A_87] : memref<2x208xf32, #tpu.memory_space<vmem>> -> memref<1x208xf32, #tpu.memory_space<vmem>>
    %dma_wait3A_89 = tpu.memref_squeeze %dma_wait3A_88 : memref<1x208xf32, #tpu.memory_space<vmem>> -> memref<208xf32, #tpu.memory_space<vmem>>
    %dma_wait3A_90 = arith.constant 0 : i32
    %dma_wait3A_91 = tpu.memref_slice %arg5[%dma_wait3A_79, %dma_wait3A_90] : memref<4096x208xf32, #tpu.memory_space<hbm>> -> memref<1x208xf32, #tpu.memory_space<hbm>>
    %dma_wait3A_92 = tpu.memref_squeeze %dma_wait3A_91 : memref<1x208xf32, #tpu.memory_space<hbm>> -> memref<208xf32, #tpu.memory_space<hbm>>
    tpu.wait_dma2 semaphore(%arg13 : memref<!tpu.dma_semaphore, #tpu.memory_space<semaphore_mem>>) src(%dma_wait3A_92 : memref<208xf32, #tpu.memory_space<hbm>>) dst(%dma_wait3A_89 : memref<208xf32, #tpu.memory_space<vmem>>)
    return
  }
}

</mosaic_0001>

<sc_bundles>
// kernel: kernel.3.cloned.1.call-start
scs
__scs_entry_jumppad:
0x0: {  	(pc) =	sbr.rel $0x88, $3  }
0x1: {  	(tag) =	ssettag $0x0;
	lr =	simm.s32 $0x1  }
0x2: {  	[smem:$0x3F9E] =	sst lr;
	_ =	strace $0xD0000000  }
0x3: {  	_ = 	snop  }
0x4: {  	_ = 	snop  }
0x5: {  	_ = 	snop  }
0x6: {  	_ = 	snop  }
0x7: {  	_ = 	snop  }
__scs_overlays_trampoline_lowered:
0x8: {  	[smem:$0x3FAD] =	sst s0  }
0x9: {  	[smem:$0x3FAE] =	sst s1  }
0xa: {  	[smem:$0x3FAF] =	sst s2  }
0xb: {  	[smem:$0x3FB0] =	sst s3  }
0xc: {  	[smem:$0x3FB1] =	sst s4  }
0xd: {  	[smem:$0x3FB2] =	sst s5  }
0xe: {  	[smem:$0x3FB3] =	sst s6  }
0xf: {  	[smem:$0x3FB4] =	sst s7  }
0x10: {  	[smem:$0x3FB5] =	sst s8  }
0x11: {  	[smem:$0x3FB6] =	sst s9;
	s0 =	simm.s32 @!p0 $0x0  }
0x12: {  	s1 =	sld [smem:$0x3F9C];
	s0 =	simm.s32 @p0 $0x1  }
0x13: {  	[smem:$0x3FB7] =	sst s0;
	s0 =	simm.s32 @!p1 $0x0  }
0x14: {  	s2 =	sld [smem:$0x3F9B];
	s0 =	simm.s32 @p1 $0x1  }
0x15: {  	[smem:$0x3FB8] =	sst s0;
	s0 =	simm.s32 @!p2 $0x0  }
0x16: {  	s3 =	sld [smem:$0x3FDB];
	s0 =	simm.s32 @p2 $0x1  }
0x17: {  	s4 =	simm.s32 $0x1BF5;
	[smem:$0x3FBA] =	sst s0  }
0x18: {  	s0 =	sld [smem:$0x3F9D];
	_ =	swait.ge [sflag:s4], $0x0  }
0x19: {  	s7 =	sld [smem:$0x3F9E]  }
0x1a: {  	s8 =	sadd.s32 $0xFFFFE003, lr  }
0x1b: {  	s9 =	sadd.s32 $0xFFFFFEF7, lr;
	s5 =	simm.s32 $0xFFFFFFFF;
	p2 =	slt.u32 s8, $0xFFFFF086  }
0x1c: {  	p1 =	slt.u32 s9, $0xF7A;
	s5 =	simm.s32 @!p2 $0x0  }
0x1d: {  	s5 =	simm.s32 @p1 $0x1;
	p0 =	seq.s32 s7, s2  }
0x1e: {  	s7 =	smul.u32 @!p0 $0xF7A, s2;
	p2 =	seq.s32 @!p0 s5, $0x0  }
0x1f: {  	s9 =	smul.u32 $0xF7A, s1;
	s8 =	simm.s32 @!p0 $0x1BF5;
	p2 =	por !p2, p0  }
0x20: {  	[sflag:s8] =	ssyncset.s32 @!p0 $0xFFFFF086;
	s6 =	sadd.s32 @!p0 s3, s7;
	s7 =	simm.s32 @!p0 $0x108  }
0x21: {  	s3 =	sadd.s32 s3, s9;
	s6 =	sadd.s32 @!p0 $0x88, s6;
	s7 =	simm.s32 @p2 $0x1082  }
0x22: {  	[simem:s7], [sflag:s8] =	dma.local @!p0 [hbm:s6], $0xF7A  }
0x23: {  	s9 =	sor.u32 $0xD0000000, s2;
	s6 =	simm.s32 $0x108;
	_ =	swait.ge @!p0 [sflag:s8], $0x0  }
0x24: {  	s3 =	sadd.s32 $0x88, s3;
	s6 =	simm.s32 @!p1 $0x1082;
	[sflag:s4] =	ssyncset.s32 $0xFFFFF086  }
0x25: {  	[simem:s6], [sflag:s4] =	dma.local [hbm:s3], $0xF7A  }
0x26: {  	[smem:$0x3F9E] =	sst s1;
	(tag) =	ssettag s2;
	_ =	strace s9  }
0x27: {  	s1 =	sld [smem:$0x3FAE]  }
0x28: {  	s2 =	sld [smem:$0x3FAF]  }
0x29: {  	s4 =	sld [smem:$0x3FB1]  }
0x2a: {  	p0 =	seq.s32 s5, $0x0;
	s5 =	sld [smem:$0x3FB2]  }
0x2b: {  	s6 =	sld [smem:$0x3FB3]  }
0x2c: {  	s7 =	sld [smem:$0x3FB4]  }
0x2d: {  	s3 =	simm.s32 $0x108;
	s8 =	sld [smem:$0x3FB5]  }
0x2e: {  	s3 =	simm.s32 @!p0 $0x1082;
	s9 =	sld [smem:$0x3FB6]  }
0x2f: {  	lr =	sadd.s32 s0, s3;
	s0 =	sld [smem:$0x3FAD]  }
0x30: {  	s3 =	sld [smem:$0x3FB0]  }
0x31: {  	[smem:$0x3FB9] =	sst s10  }
0x32: {  	s10 =	sld [smem:$0x3FB7];
	_ =	sdelay $0x3  }
0x33: {  	p0 =	seq.s32 s10, $0x1;
	s10 =	sld [smem:$0x3FB9];
	_ =	sdelay $0x3  }
0x34: {  	[smem:$0x3FB9] =	sst s10  }
0x35: {  	s10 =	sld [smem:$0x3FB8];
	_ =	sdelay $0x3  }
0x36: {  	p1 =	seq.s32 s10, $0x1;
	s10 =	sld [smem:$0x3FB9];
	_ =	sdelay $0x3  }
0x37: {  	[smem:$0x3FB9] =	sst s10  }
0x38: {  	s10 =	sld [smem:$0x3FBA]  }
0x39: {  	_ = 	snop;
	(pc) =	sbr.ind lr, $3  }
0x3a: {  	_ = 	snop  }
0x3b: {  	_ = 	snop  }
0x3c: {  	p2 =	seq.s32 s10, $0x1;
	s10 =	sld [smem:$0x3FB9]  }
0x3d: {  	_ =	shalt  }
0x3e: {  	_ =	shalt  }
0x3f: {  	_ =	shalt  }
0x40: {  	_ =	shalt  }
0x41: {  	_ =	shalt  }
0x42: {  	_ =	shalt  }
0x43: {  	_ =	shalt  }
0x44: {  	_ =	shalt  }
0x45: {  	_ =	shalt  }
0x46: {  	_ =	shalt  }
0x47: {  	_ =	shalt  }
0x48: {  	_ =	shalt  }
0x49: {  	_ =	shalt  }
0x4a: {  	_ =	shalt  }
0x4b: {  	_ =	shalt  }
0x4c: {  	_ =	shalt  }
0x4d: {  	_ =	shalt  }
0x4e: {  	_ =	shalt  }
0x4f: {  	_ =	shalt  }
0x50: {  	_ =	shalt  }
0x51: {  	_ =	shalt  }
0x52: {  	_ =	shalt  }
0x53: {  	_ =	shalt  }
0x54: {  	_ =	shalt  }
0x55: {  	_ =	shalt  }
0x56: {  	_ =	shalt  }
0x57: {  	_ =	shalt  }
0x58: {  	_ =	shalt  }
0x59: {  	_ =	shalt  }
0x5a: {  	_ =	shalt  }
0x5b: {  	_ =	shalt  }
0x5c: {  	_ =	shalt  }
0x5d: {  	_ =	shalt  }
0x5e: {  	_ =	shalt  }
0x5f: {  	_ =	shalt  }
0x60: {  	_ =	shalt  }
0x61: {  	_ =	shalt  }
0x62: {  	_ =	shalt  }
0x63: {  	_ =	shalt  }
0x64: {  	_ =	shalt  }
0x65: {  	_ =	shalt  }
0x66: {  	_ =	shalt  }
0x67: {  	_ =	shalt  }
0x68: {  	_ =	shalt  }
0x69: {  	_ =	shalt  }
0x6a: {  	_ =	shalt  }
0x6b: {  	_ =	shalt  }
0x6c: {  	_ =	shalt  }
0x6d: {  	_ =	shalt  }
0x6e: {  	_ =	shalt  }
0x6f: {  	_ =	shalt  }
0x70: {  	_ =	shalt  }
0x71: {  	_ =	shalt  }
0x72: {  	_ =	shalt  }
0x73: {  	_ =	shalt  }
0x74: {  	_ =	shalt  }
0x75: {  	_ =	shalt  }
0x76: {  	_ =	shalt  }
0x77: {  	_ =	shalt  }
0x78: {  	_ =	shalt  }
0x79: {  	_ =	shalt  }
0x7a: {  	_ =	shalt  }
0x7b: {  	_ =	shalt  }
0x7c: {  	_ =	shalt  }
0x7d: {  	_ =	shalt  }
0x7e: {  	_ =	shalt  }
0x7f: {  	_ =	shalt  }
0x80: {  	_ =	shalt  }
0x81: {  	_ =	shalt  }
0x82: {  	_ =	shalt  }
0x83: {  	_ =	shalt  }
0x84: {  	_ =	shalt  }
0x85: {  	_ =	shalt  }
0x86: {  	_ =	shalt  }
0x87: {  	_ =	shalt  }
.Lfunc_end0:
.L_simem_size_0:
called_computation_lowered:
.L_overlay_start_0:
0x88: {  	s2 =	sld [smem:$0x3FD9]  }
0x89: {  	s3 =	sld [smem:$0x3FFE];
	_ =	sdelay $0x1  }
0x8a: {  	s1 =	srdreg.scid  }
0x8b: {  	s0 =	sand.u32 $0x1, s1  }
0x8c: {  	s17 =	sshll.u32 s0, $0xA;
	s2 =	sadd.s32 s3, s2  }
0x8d: {  	s2 =	sadd.s32 s2, s17  }
0x8e: {  	[smem:$0x3FC5] =	sst s2  }
0x8f: {  	_ = 	snop  }
0x90: {  	s2 =	sld [smem:$0x3FD0];
	(tm) =	ssettm $0x1  }
0x91: {  	s18 =	sld [smem:$0x3FFB];
	_ =	sdelay $0x3  }
0x92: {  	_ =	strace s18  }
0x93: {  	s3 =	sld [smem:$0x3FFC];
	_ =	sdelay $0x3  }
0x94: {  	_ =	strace s3  }
0x95: {  	s3 =	sld [smem:$0x3FFD];
	_ =	sdelay $0x3  }
0x96: {  	_ =	strace s3  }
0x97: {  	_ =	strace $0x8FFFFFFF  }
0x98: {  	s19 =	sld [smem:$0x3FDB];
	_ =	sdelay $0x1  }
0x99: {  	s4 =	simm.s32 $_scs_section_size  }
0x9a: {  	s5 =	simm.s32 $_size__tile_overlayer_lowered;
	s6 =	simm.s32 $_tile_overlayer_lowered  }
0x9b: {  	s22 =	simm.s32 $0x1BFF;
	s21 =	sshll.u32 s6, $0x1;
	s3 =	sadd.s32 s4, s19  }
0x9c: {  	s7 =	simm.s32 $0x0;
	s20 =	sshll.u32 s5, $0x1;
	s5 =	sadd.s32 s21, s3  }
0x9d: {  	[timem:s7], [sflag:s22] =	dma.local [hbm:s5], s20  }
0x9e: {  	_ =	swait.ge [sflag:s22], s20  }
0x9f: {  	s4 =	ssub.s32 $0x0, s20;
	[sflag:s22] =	ssyncset.done $0x0  }
0xa0: {  	[sflag:s22] =	ssyncadd.s32 s4;
	_ =	sdelay $0x1  }
0xa1: {  	s23 =	simm.s32 $0x1B8B  }
0xa2: {  	_ =	swait.ge [sflag:s23], $0x1  }
0xa3: {  	[sflag:s23] =	ssyncset.done $0x0  }
0xa4: {  	s25 =	simm.s32 $0x1B8E;
	s24 =	sld [smem:$0x3FFE];
	[sflag:s23] =	ssyncadd.s32 $0xFFFFFFFF  }
0xa5: {  	s26 =	simm.s32 $execute0_lowered;
	[smem:$0x3FD2] =	sst s25  }
0xa6: {  	s5 =	sshll.u32 s26, $0x1;
	_ =	strace $0x80000046;
	[dreg:$0x1] =	wrdreg $0xFFFFFFFF  }
0xa7: {  	s28 =	simm.s32 $_size_execute0_lowered;
	s3 =	sadd.s32 s3, s5;
	[dreg:$0x0] =	wrdreg $0x0  }
0xa8: {  	s5 =	sshll.u32 s28, $0x1;
	[dreg:$0x2] =	wrdreg s3  }
0xa9: {  	[dreg:$0x3] =	wrdreg s5  }
0xaa: {  	[dreg:$0x4] =	wrdreg $0xC0  }
0xab: {  	_ =	task [dreg:s7], $0x5FFFF  }
0xac: {  	[dreg:$0x1] =	wrdreg $0xFFFFFFFF  }
0xad: {  	[dreg:$0x0] =	wrdreg $0x60  }
0xae: {  	[dreg:$0x2] =	wrdreg s2  }
0xaf: {  	[dreg:$0x3] =	wrdreg s24  }
0xb0: {  	[dreg:$0x4] =	wrdreg $0x9  }
0xb1: {  	_ =	task.clear_ibuf [dreg:s7], $0x5FFFF;
	_ =	strace $0x90000046  }
0xb2: {  	s29 =	simm.s32 $0x9;
	_ =	strace $0x80000048  }
0xb3: {  	_ =	swait.ge [sflag:s29], $0x1  }
0xb4: {  	[sflag:s29] =	ssyncadd.s32 $0xFFFFFFFF  }
0xb5: {  	_ =	strace $0x90000048  }
0xb6: {  	_ =	sfence  }
0xb7: {  	s30 =	sld [smem:$0x0];
	_ =	sdelay $0x2  }
0xb8: {  	s31 =	sshll.u32 s1, $0xD;
	s1 =	sshrl.u32 s1, $0x2  }
0xb9: {  	s3 =	sand.u32 $0x4000, s31;
	s1 =	sadd.s32 s1, s30  }
0xba: {  	s0 =	sor.u32 s3, s0;
	s1 =	sshll.u32 s1, $0x11  }
0xbb: {  	s0 =	sor.u32 s1, s0  }
0xbc: {  	s0 =	sadd.s32 $0x8F2B, s0  }
0xbd: {  	[sflag:s0] =	ssyncadd.remote.s32 $0x1  }
0xbe: {  	_ =	sfence.sel $0xFFFF  }
0xbf: {  	[dreg:$0x0] =	wrdreg $0xFFFFFFFF;
	(pc) =	sbr.abs _section_cstart, $3  }
0xc0: {  	[dreg:$0x1] =	wrdreg $0xFFFFFFFF  }
0xc1: {  	_ =	task.clear_ibuf [dreg:s7], $0x2FFFF;
	_ =	strace $0x9FFFFFFF  }
0xc2: {  	(tm) =	ssettm $0x7FFFFFFF  }
0xc3: {  	_ =	shalt  }
tec
execute0_lowered:
.L_overlay_start_1:
0x0: {  	(tag) =	ssettag $0x1  }
0x1: {  	vm0 =	vcmask $0xB08  }
0x2: {  	vm1 =	vcmask $0x300;
	v0 =	vimm.s32 $0xEFCDAB89;
	v1 =	vimm.s32 $0x67452301  }
0x3: {  	v2 =	vimm.s32 $0xDCFE98BA;
	v3 =	vimm.s32 $0xBA98FEDC;
	v4 =	vimm.s32 $0x32107654  }
0x4: {  	vm2 =	vcmask $0x700;
	vm0 =	vmor vm1, vm0;
	vm1 =	vcmask $0x1310  }
0x5: {  	v0 =	vunpack.c.l.s4.s8 v0;
	v1 =	vunpack.c.l.s4.s8 v1;
	v3 =	vunpack.c.l.s4.s8 v3  }
0x6: {  	v4 =	vunpack.c.l.s4.s8 v4;
	vm0 =	vmor vm0, vm1;
	vm1 =	vcmask $0x1B18  }
0x7: {  	s0 =	rddreg [dreg:$0x0];
	vm0 =	vmor vm0, vm1;
	v0 =	vunpack.c.0.s8.s32 v0;
	v1 =	vunpack.c.0.s8.s32 v1  }
0x8: {  	s1 =	rddreg [dreg:$0x1];
	vm1 =	vcmask $0x2320;
	v3 =	vunpack.c.0.s8.s32 v3;
	v4 =	vunpack.c.0.s8.s32 v4  }
0x9: {  	s2 =	srdreg.scid;
	s3 =	stileid.u32;
	s9 =	simm.s32 $0x5;
	v0 =	vcombine.low v1, v0;
	v1 =	vunpack.c.l.s4.s8 v2;
	v2 =	vimm.s32 $0x54761032  }
0xa: {  	s11 =	simm.s32 $0x64;
	s12 =	simm.s32 $0xC000;
	s13 =	simm.s32 $0x80;
	vm0 =	vmor vm0, vm1;
	vm1 =	vcmask $0x2B28;
	v2 =	vunpack.c.l.s4.s8 v2  }
0xb: {  	s14 =	simm.s32 $0xF200;
	s15 =	simm.s32 $0x12800;
	s16 =	simm.s32 $0x15A00;
	vm3 =	vcmask $0xF00;
	vm0 =	vmor vm0, vm1;
	vm1 =	vcmask $0x3330  }
0xc: {  	s17 =	simm.s32 $0x1;
	s18 =	simm.s32 $0x19000;
	s19 =	simm.s32 $0x19100;
	v3 =	vcombine.low v4, v3;
	v1 =	vunpack.c.0.s8.s32 v1;
	v2 =	vunpack.c.0.s8.s32 v2  }
0xd: {  	s20 =	simm.s32 $0x2;
	s21 =	simm.s32 $0x4;
	s22 =	simm.s32 $0x19080;
	v4 =	vimm.s32 $0x76543210;
	vm0 =	vmor vm0, vm1;
	vm1 =	vcmask $0x3B38  }
0xe: {  	s23 =	simm.s32 $0x19180;
	s24 =	simm.s32 $0x3;
	s25 =	simm.s32 $0x0;
	v4 =	vunpack.c.l.s4.s8 v4;
	v1 =	vcombine.low v2, v1;
	v2 =	vimm.s32 $0xFEDCBA98  }
0xf: {  	s5 =	sand.u32 $0x1, s2;
	s2 =	simm.s32 $0x0;
	s3 =	sshll.u32 s3, $0x8;
	vm0 =	vmor vm0, vm1;
	vm1 =	vcmask $0x1710;
	v2 =	vunpack.c.l.s4.s8 v2  }
0x10: {  	s4 =	sshll.u32 s5, $0x7;
	[smem:$0x7FF] =	sst s2;
	s7 =	ssub.s32 $0x2, s5;
	v0 =	vand.u32 $0xF, v0;
	vm1 =	vmor vm2, vm1;
	vm2 =	vcmask $0x2720  }
0x11: {  	s5 =	sadd.s32 $0x800, s1;
	s3 =	sor.u32 s4, s3;
	_ =	strace $0x80000047;
	vm1 =	vmor vm1, vm2;
	vm2 =	vcmask $0x3730;
	v2 =	vunpack.c.0.s8.s32 v2  }
0x12: {  	s31 =	sshrl.u32 s7, $0x1;
	s4 =	sshll.u32 s3, $0x5;
	s8 =	sshll.u32 s3, $0x4;
	v4 =	vunpack.c.0.s8.s32 v4;
	vm1 =	vmor vm1, vm2;
	vm2 =	vcmask $0x2F20  }
0x13: {  	s6 =	sadd.s32 s4, s1;
	s4 =	sadd.s32 $0xF62C00, s1;
	s1 =	ssub.s32 s7, s31;
	vm2 =	vmor vm3, vm2;
	vm3 =	vmmov $0xff;
	v5 =	vand.u32 $0xF, v2  }
0x14: {  	s7 =	sadd.s32 s0, s8;
	s6 =	sadd.s32 $0xF42C00, s6;
	s8 =	smax.u32 s1, $0x1;
	v1 =	vand.u32 $0xF, v1;
	v2 =	vand.u32 $0xF, v3;
	v3 =	vcombine.low v5, v4  }
.LBB2_1:
0x15: {  	[tilespmem:s2], [sflag:$0x5] =	stream.linear.gather [hbm4b:s6+s2], $0x8000, $0x38;
	[tilespmem:$0x19200] =	vst v63  }
0x16: {  	_ =	swait.ge [sflag:s9], $0x8000  }
0x17: {  	[sflag:s9] =	ssyncset.done $0x0  }
0x18: {  	s0 =	simm.s32 $0x8000;
	[sflag:s9] =	ssyncadd.s32 $0xFFFF8000  }
0x19: {  	[tilespmem:s0], [sflag:$0x5] =	stream.linear.gather [hbm4b:s7+s2], $0x4000, $0x38;
	[tilespmem:$0x19200] =	vst v63  }
0x1a: {  	_ =	swait.ge [sflag:s9], $0x4000  }
0x1b: {  	[sflag:s9] =	ssyncset.done $0x0  }
0x1c: {  	[sflag:s9] =	ssyncadd.s32 $0xFFFFC000  }
0x1d: {  	[tilespmem:s12], [sflag:$0x1] =	stream.indirect.gather [hbm4b:s4+s11], $0x80, s2, s11, $0xb8;
	[tilespmem:$0x19200] =	vst v63  }
0x1e: {  	s26 =	simm.s32 $0x0  }
0x1f: {  	[tilespmem:s14], [sflag:$0x1] =	stream.indirect.gather [hbm4b:s4+s11], $0x80, s13, s11, $0xb8;
	[tilespmem:$0x19200] =	vst v63  }
.LBB2_2:
0x20: {  	s28 =	sshllo.u32 s26, $0x1  }
0x21: {  	s0 =	sshll.u32 s28, $0x8  }
0x22: {  	s0 =	sand.u32 $0x3FFFFF00, s0  }
0x23: {  	[tilespmem:s15], [sflag:$0x2] =	stream.indirect.gather [hbm4b:s4+s11], $0x80, s0, s11, $0xb8;
	[tilespmem:$0x19200] =	vst v63  }
0x24: {  	s0 =	sor.u32 $0x80, s0  }
0x25: {  	[tilespmem:s16], [sflag:$0x2] =	stream.indirect.gather [hbm4b:s4+s11], $0x80, s0, s11, $0xb8;
	[tilespmem:$0x19200] =	vst v63  }
0x26: {  	_ =	swait.ge [sflag:s17], $0x6400  }
0x27: {  	p0 =	seq.s32 s26, $0x0;
	[sflag:s17] =	ssyncset.done $0x0  }
0x28: {  	s0 =	simm.s32 @!p0 $0x3;
	[sflag:s17] =	ssyncadd.s32 $0xFFFF9C00  }
0x29: {  	_ =	swait.ge @!p0 [sflag:s0], $0x100  }
0x2a: {  	s1 =	sshll.u32 s26, $0x8;
	[sflag:s0] =	ssyncset.done @!p0 $0x0  }
0x2b: {  	s10 =	sand.u32 $0x3FFFFF00, s1;
	[sflag:s0] =	ssyncadd.s32 @!p0 $0xFFFFFF00  }
0x2c: {  	v4 =	vld [tilespmem:s10+$0x8000]  }
0x2d: {  	v5 =	vld [tilespmem:s10+$0x8010]  }
0x2e: {  	s29 =	sshll.u32 s26, $0x1;
	v6 =	vld [tilespmem:s10+$0x8020]  }
0x2f: {  	s30 =	simm.s32 $0x0;
	s31 =	simm.s32 $0xC400;
	s0 =	simm.s32 $0x0;
	v7 =	vld [tilespmem:s10+$0x8030]  }
.LBB2_3:
0x30: {  	v8 =	vld [tilespmem:s31+$0xFFFFFC00]  }
0x31: {  	v9 =	vld [tilespmem:s31+$0xFFFFFC10]  }
0x32: {  	v10 =	vld [tilespmem:s31+$0xFFFFFC20]  }
0x33: {  	v11 =	vld [tilespmem:s31+$0xFFFFFC30]  }
0x34: {  	v12 =	vld [tilespmem:s31+$0xFFFFFC80]  }
0x35: {  	v13 =	vld [tilespmem:s31+$0xFFFFFC90]  }
0x36: {  	v14 =	vld [tilespmem:s31+$0xFFFFFCA0]  }
0x37: {  	v15 =	vld [tilespmem:s31+$0xFFFFFCB0]  }
0x38: {  	v16 =	vld [tilespmem:s31+$0xFFFFFD00]  }
0x39: {  	v17 =	vld [tilespmem:s31+$0xFFFFFD10]  }
0x3a: {  	v18 =	vld [tilespmem:s31+$0xFFFFFD20]  }
0x3b: {  	v19 =	vld [tilespmem:s31+$0xFFFFFD30]  }
0x3c: {  	v20 =	vld [tilespmem:s31+$0xFFFFFD80]  }
0x3d: {  	v21 =	vld [tilespmem:s31+$0xFFFFFD90]  }
0x3e: {  	v22 =	vld [tilespmem:s31+$0xFFFFFDA0]  }
0x3f: {  	v23 =	vld [tilespmem:s31+$0xFFFFFDB0]  }
0x40: {  	v24 =	vld [tilespmem:s31+$0xFFFFFE00]  }
0x41: {  	v25 =	vld [tilespmem:s31+$0xFFFFFE10]  }
0x42: {  	v26 =	vld [tilespmem:s31+$0xFFFFFE20]  }
0x43: {  	v27 =	vld [tilespmem:s31+$0xFFFFFE30]  }
0x44: {  	v28 =	vld [tilespmem:s31+$0xFFFFFE80]  }
0x45: {  	v29 =	vld [tilespmem:s31+$0xFFFFFE90]  }
0x46: {  	v30 =	vld [tilespmem:s31+$0xFFFFFEA0]  }
0x47: {  	v31 =	vld [tilespmem:s31+$0xFFFFFEB0]  }
0x48: {  	v32 =	vld [tilespmem:s31+$0xFFFFFF00]  }
0x49: {  	v33 =	vld [tilespmem:s31+$0xFFFFFF10]  }
0x4a: {  	v34 =	vld [tilespmem:s31+$0xFFFFFF20]  }
0x4b: {  	v35 =	vld [tilespmem:s31+$0xFFFFFF30];
	v8 =	vmul.f32 v8, v4  }
0x4c: {  	v36 =	vld [tilespmem:s31+$0xFFFFFF80];
	v9 =	vmul.f32 v9, v5;
	v12 =	vmul.f32 v12, v4  }
0x4d: {  	v37 =	vld [tilespmem:s31+$0xFFFFFF90];
	v13 =	vmul.f32 v13, v5;
	v52 =	vmul.f32 v10, v6  }
0x4e: {  	v38 =	vld [tilespmem:s31+$0xFFFFFFA0];
	v53 =	vmul.f32 v11, v7;
	v54 =	vmul.f32 v14, v6  }
0x4f: {  	v39 =	vld [tilespmem:s31+$0xFFFFFFB0];
	v55 =	vmul.f32 v15, v7;
	v56 =	vmul.f32 v16, v4  }
0x50: {  	v40 =	vld [tilespmem:s31+$0x0];
	v57 =	vmul.f32 v17, v5;
	v58 =	vmul.f32 v20, v4  }
0x51: {  	v41 =	vld [tilespmem:s31+$0x10];
	v59 =	vmul.f32 v21, v5;
	v60 =	vmul.f32 v18, v6  }
0x52: {  	v46 =	vld [tilespmem:s31+$0x180];
	v61 =	vmul.f32 v22, v6;
	v62 =	vmul.f32 v24, v4  }
0x53: {  	v48 =	vld [tilespmem:s31+$0x190];
	v63 =	vmul.f32 v25, v5;
	v28 =	vmul.f32 v28, v4  }
0x54: {  	v51 =	vld [tilespmem:s31+$0x1A0];
	v42 =	vmul.f32 v29, v5;
	v19 =	vmul.f32 v19, v7  }
0x55: {  	v11 =	vld [tilespmem:s31+$0x20];
	v43 =	vmul.f32 v26, v6;
	v23 =	vmul.f32 v23, v7  }
0x56: {  	v15 =	vld [tilespmem:s31+$0x30];
	v44 =	vmul.f32 v30, v6;
	v45 =	vmul.f32 v27, v7  }
0x57: {  	v17 =	vld [tilespmem:s31+$0x80];
	v47 =	vmul.f32 v31, v7;
	v49 =	vmul.f32 v32, v4;
	v8 =	vadd.f32 v9, v8  }
0x58: {  	v21 =	vld [tilespmem:s31+$0x90];
	v50 =	vmul.f32 v33, v5;
	v12 =	vadd.f32 v13, v12;
	v9 =	vadd.f32 v57, v56  }
0x59: {  	v16 =	vld [tilespmem:s31+$0xA0];
	v13 =	vadd.f32 v59, v58;
	v10 =	vadd.f32 v63, v62;
	v56 =	vmul.f32 v35, v7  }
0x5a: {  	v22 =	vld [tilespmem:s31+$0x100];
	v14 =	vadd.f32 v42, v28;
	v58 =	vmul.f32 v38, v6;
	v59 =	vmul.f32 v39, v7  }
0x5b: {  	v25 =	vld [tilespmem:s31+$0x110];
	v62 =	vmul.f32 v41, v5;
	v8 =	vadd.f32 v52, v8;
	v12 =	vadd.f32 v54, v12  }
0x5c: {  	v18 =	vld [tilespmem:s31+$0xB0];
	v13 =	vadd.f32 v61, v13;
	v52 =	vmul.f32 v36, v4;
	v61 =	vmul.f32 v40, v4  }
0x5d: {  	v26 =	vld [tilespmem:s31+$0x120];
	v14 =	vadd.f32 v44, v14;
	v44 =	vmul.f32 v46, v4;
	v17 =	vmul.f32 v17, v4  }
0x5e: {  	v28 =	vld [tilespmem:s31+$0x130];
	v9 =	vadd.f32 v60, v9;
	v21 =	vmul.f32 v21, v5;
	v11 =	vmul.f32 v11, v6  }
0x5f: {  	v57 =	vld [tilespmem:s31+$0x200];
	v10 =	vadd.f32 v43, v10;
	v16 =	vmul.f32 v16, v6;
	v22 =	vmul.f32 v22, v4  }
0x60: {  	v63 =	vld [tilespmem:s31+$0x220];
	v25 =	vmul.f32 v25, v5;
	v8 =	vadd.f32 v53, v8;
	v12 =	vadd.f32 v55, v12  }
0x61: {  	v42 =	vld [tilespmem:s31+$0x290];
	v15 =	vmul.f32 v15, v7;
	v9 =	vadd.f32 v19, v9;
	v13 =	vadd.f32 v23, v13  }
0x62: {  	v54 =	vld [tilespmem:s31+$0x1B0];
	v18 =	vmul.f32 v18, v7;
	v10 =	vadd.f32 v45, v10;
	v14 =	vadd.f32 v47, v14  }
0x63: {  	v40 =	vld [tilespmem:s31+$0x230];
	v53 =	vmul.f32 v37, v5;
	v19 =	vadd.f32 v50, v49;
	v55 =	vmul.f32 v34, v6  }
0x64: {  	v43 =	vld [tilespmem:s31+$0x2A0];
	v27 =	vadd.f32 v62, v61;
	v45 =	vmul.f32 v48, v5;
	v47 =	vmul.f32 v26, v6  }
0x65: {  	v46 =	vld [tilespmem:s31+$0x2B0];
	v49 =	vmul.f32 v51, v6;
	v17 =	vadd.f32 v21, v17;
	v22 =	vadd.f32 v25, v22  }
0x66: {  	v35 =	vld [tilespmem:s31+$0x3B0];
	v21 =	vmul.f32 v42, v5;
	v61 =	vmul.f32 v63, v6;
	v23 =	vadd.f32 v53, v52  }
0x67: {  	v60 =	vld [tilespmem:s31+$0x210];
	v19 =	vadd.f32 v55, v19;
	v11 =	vadd.f32 v11, v27;
	v52 =	vmul.f32 v28, v7  }
0x68: {  	v48 =	vld [tilespmem:s31+$0x300];
	v42 =	vsel vm0, v13, v9;
	v9 =	vsel vm0, v9, v13;
	v16 =	vadd.f32 v16, v17  }
0x69: {  	v50 =	vld [tilespmem:s31+$0x310];
	v17 =	vadd.f32 v45, v44;
	v54 =	vmul.f32 v54, v7;
	v27 =	vmul.f32 v43, v6  }
0x6a: {  	v62 =	vld [tilespmem:s31+$0x330];
	v51 =	vadd.f32 v47, v22;
	v37 =	vmul.f32 v40, v7;
	v24 =	vmul.f32 v46, v7  }
0x6b: {  	v41 =	vld [tilespmem:s31+$0x280];
	v40 =	vmul.f32 v35, v7;
	v43 =	vsel vm0, v14, v10;
	v10 =	vsel vm0, v10, v14  }
0x6c: {  	v53 =	vld [tilespmem:s31+$0x380];
	v23 =	vadd.f32 v58, v23;
	v19 =	vadd.f32 v56, v19;
	v56 =	vmul.f32 v57, v4  }
0x6d: {  	v55 =	vld [tilespmem:s31+$0x390];
	v11 =	vadd.f32 v15, v11;
	v57 =	vmul.f32 v60, v5;
	v44 =	vperm.xlane v43, v0  }
0x6e: {  	v16 =	vadd.f32 v18, v16;
	v17 =	vadd.f32 v49, v17;
	v63 =	vmul.f32 v48, v4  }
0x6f: {  	v15 =	vadd.f32 v52, v51;
	v34 =	vmul.f32 v50, v5;
	v39 =	vmul.f32 v62, v7  }
0x70: {  	v58 =	vld [tilespmem:s31+$0x320];
	v23 =	vadd.f32 v59, v23;
	v59 =	vmul.f32 v41, v4;
	v22 =	vadd.f32 v57, v56  }
0x71: {  	v60 =	vld [tilespmem:s31+$0x3A0];
	v41 =	vsel vm0, v12, v8;
	v8 =	vsel vm0, v8, v12;
	v10 =	vadd.f32 v44, v10  }
0x72: {  	v17 =	vadd.f32 v54, v17;
	v25 =	vmul.f32 v53, v4;
	v20 =	vmul.f32 v55, v5  }
0x73: {  	v46 =	vsel vm0, v16, v11;
	v11 =	vsel vm0, v11, v16;
	v18 =	vadd.f32 v21, v59  }
0x74: {  	v22 =	vadd.f32 v61, v22;
	v21 =	vadd.f32 v34, v63;
	v45 =	vsel vm0, v23, v19  }
0x75: {  	v13 =	vperm.xlane v46, v0;
	v19 =	vsel vm0, v19, v23;
	v36 =	vmul.f32 v58, v6  }
0x76: {  	v20 =	vadd.f32 v20, v25;
	v38 =	vmul.f32 v60, v6;
	v25 =	vperm.xlane v42, v0  }
0x77: {  	v12 =	vperm.xlane v45, v0;
	v18 =	vadd.f32 v27, v18;
	v22 =	vadd.f32 v37, v22  }
0x78: {  	v47 =	vsel vm0, v17, v15;
	v21 =	vadd.f32 v36, v21;
	v20 =	vadd.f32 v38, v20  }
0x79: {  	v48 =	vsel vm0, v15, v17;
	v11 =	vadd.f32 v13, v11;
	v18 =	vadd.f32 v24, v18  }
0x7a: {  	v14 =	vperm.xlane v47, v0;
	v21 =	vadd.f32 v39, v21;
	v20 =	vadd.f32 v40, v20  }
0x7b: {  	v9 =	vadd.f32 v25, v9;
	v12 =	vadd.f32 v12, v19;
	v24 =	vperm.xlane v41, v0  }
0x7c: {  	v13 =	vadd.f32 v14, v48;
	v49 =	vsel vm0, v18, v22;
	v50 =	vsel vm0, v20, v21  }
0x7d: {  	v54 =	vsel vm1, v12, v10;
	v14 =	vperm.xlane v49, v0;
	v15 =	vperm.xlane v50, v0  }
0x7e: {  	v8 =	vadd.f32 v24, v8;
	v52 =	vsel vm0, v22, v18;
	v53 =	vsel vm0, v21, v20  }
0x7f: {  	v55 =	vsel vm1, v13, v11;
	v14 =	vadd.f32 v14, v52;
	v15 =	vadd.f32 v15, v53  }
0x80: {  	v10 =	vsel vm1, v10, v12;
	v56 =	vperm.xlane v55, v1;
	v51 =	vsel vm1, v9, v8  }
0x81: {  	v8 =	vsel vm1, v8, v9;
	v9 =	vperm.xlane v54, v1;
	v17 =	vsel vm1, v15, v14  }
0x82: {  	v58 =	vsel vm1, v11, v13;
	v16 =	vperm.xlane v51, v1;
	v57 =	vperm.xlane v17, v1  }
0x83: {  	v9 =	vadd.f32 v9, v10;
	v10 =	vadd.f32 v56, v58;
	v59 =	vsel vm1, v14, v15  }
0x84: {  	v8 =	vadd.f32 v16, v8;
	v11 =	vadd.f32 v57, v59;
	_ =	sdelay $0x1  }
0x85: {  	v60 =	vsel vm2, v9, v8;
	v61 =	vsel vm2, v11, v10  }
0x86: {  	v12 =	vperm.xlane v60, v2;
	v13 =	vperm.xlane v61, v2  }
0x87: {  	v8 =	vsel vm2, v8, v9;
	v62 =	vsel vm2, v10, v11  }
0x88: {  	v8 =	vadd.f32 v12, v8;
	v9 =	vadd.f32 v13, v62;
	_ =	sdelay $0x1  }
0x89: {  	p1 =	sne.s32 s0, $0xC0;
	v63 =	vsel vm3, v9, v8  }
.Ltmp0:
0x8a: {  	v10 =	vperm.xlane v63, v3;
	(pc) =	sbr.rel @p1 .LBB2_3-.Ltmp0, $4  }
0x8b: {  	v8 =	vsel vm3, v8, v9  }
0x8c: {  	s1 =	sand.u32 $0x70, s0;
	s10 =	sand.u32 $0x100, s30;
	v8 =	vadd.f32 v8, v10  }
0x8d: {  	s1 =	sor.u32 s1, s10  }
0x8e: {  	s30 =	sadd.s32 $0x20, s30;
	s0 =	sadd.s32 $0x10, s0;
	s31 =	sadd.s32 $0x800, s31;
	[tilespmem:s1+$0x19000] =	vst v8  }
0x8f: {  	s0 =	sadd.s32 s3, s29;
	s1 =	sshll.u32 s26, $0x5  }
0x90: {  	p1 =	sne.s32 s26, $0x3F;
	s0 =	sshll.u32 s0, $0x5;
	s1 =	sand.u32 $0x60, s1  }
.Ltmp1:
0x91: {  	s29 =	sand.u32 $0x1FF00, s0;
	s31 =	sadd.s32 s5, s1;
	(pc) =	sbr.rel @p1 .LBB2_6-.Ltmp1, $4  }
0x92: {  	s0 =	sadd.s32 s29, s31  }
0x93: {  	[hbm4b:s0+s2] =	stream.linear.scatter [tilespmem:s18], [sflag:$0x3], $0x80, $0x38;
	[tilespmem:$0x19200] =	vst v63  }
0x94: {  	s0 =	sadd.s32 $0x80, s0  }
0x95: {  	[hbm4b:s0+s2] =	stream.linear.scatter [tilespmem:s19], [sflag:$0x3], $0x80, $0x38;
	[tilespmem:$0x19200] =	vst v63  }
.Ltmp2:
0x96: {  	(pc) =	sbr.rel .LBB2_7-.Ltmp2, $4  }
0x97: {  	_ = 	snop  }
0x98: {  	_ =	swait.ge [sflag:s20], $0x6400  }
0x99: {  	[sflag:s20] =	ssyncset.done $0x0  }
0x9a: {  	[sflag:s20] =	ssyncadd.s32 $0xFFFF9C00  }
.LBB2_6:
0x9b: {  	s0 =	sshll.u32 s26, $0x9  }
0x9c: {  	s0 =	sand.u32 $0x3FFFFE00, s0  }
0x9d: {  	s1 =	sadd.s32 $0x200, s0  }
0x9e: {  	[tilespmem:s12], [sflag:$0x1] =	stream.indirect.gather [hbm4b:s4+s11], $0x80, s1, s11, $0xb8;
	[tilespmem:$0x19200] =	vst v63  }
.Ltmp3:
0x9f: {  	s0 =	sadd.s32 $0x280, s0;
	(pc) =	sbr.rel @p0 .LBB2_8-.Ltmp3, $4  }
0xa0: {  	[tilespmem:s14], [sflag:$0x1] =	stream.indirect.gather [hbm4b:s4+s11], $0x80, s0, s11, $0xb8;
	[tilespmem:$0x19200] =	vst v63  }
0xa1: {  	_ =	swait.ge [sflag:s20], $0x6400  }
0xa2: {  	[sflag:s20] =	ssyncset.done $0x0  }
0xa3: {  	[sflag:s20] =	ssyncadd.s32 $0xFFFF9C00  }
.LBB2_7:
0xa4: {  	_ =	swait.ge [sflag:s21], $0x100  }
0xa5: {  	[sflag:s21] =	ssyncset.done $0x0  }
0xa6: {  	[sflag:s21] =	ssyncadd.s32 $0xFFFFFF00  }
.LBB2_8:
0xa7: {  	s0 =	sshll.u32 s28, $0x7  }
0xa8: {  	s0 =	sand.u32 $0x3FFFFF80, s0  }
0xa9: {  	v4 =	vld [tilespmem:s0+$0x8000]  }
0xaa: {  	v5 =	vld [tilespmem:s0+$0x8010]  }
0xab: {  	v6 =	vld [tilespmem:s0+$0x8020]  }
0xac: {  	s30 =	simm.s32 $0x0;
	s31 =	simm.s32 $0x0;
	v7 =	vld [tilespmem:s0+$0x8030];
	s0 =	simm.s32 $0x0  }
.LBB2_9:
0xad: {  	s1 =	sshra.s32 s0, $0x2  }
0xae: {  	v8 =	vld [tilespmem:s1+$0x12800]  }
0xaf: {  	v9 =	vld [tilespmem:s1+$0x12810]  }
0xb0: {  	v10 =	vld [tilespmem:s1+$0x12820]  }
0xb1: {  	v11 =	vld [tilespmem:s1+$0x12830]  }
0xb2: {  	v12 =	vld [tilespmem:s1+$0x12880]  }
0xb3: {  	v13 =	vld [tilespmem:s1+$0x12890]  }
0xb4: {  	v14 =	vld [tilespmem:s1+$0x128A0]  }
0xb5: {  	v15 =	vld [tilespmem:s1+$0x128B0]  }
0xb6: {  	v16 =	vld [tilespmem:s1+$0x12900]  }
0xb7: {  	v17 =	vld [tilespmem:s1+$0x12910]  }
0xb8: {  	v18 =	vld [tilespmem:s1+$0x12920]  }
0xb9: {  	v19 =	vld [tilespmem:s1+$0x12930]  }
0xba: {  	v20 =	vld [tilespmem:s1+$0x12980]  }
0xbb: {  	v21 =	vld [tilespmem:s1+$0x12990]  }
0xbc: {  	v22 =	vld [tilespmem:s1+$0x129A0]  }
0xbd: {  	v23 =	vld [tilespmem:s1+$0x129B0]  }
0xbe: {  	v24 =	vld [tilespmem:s1+$0x12A00]  }
0xbf: {  	v25 =	vld [tilespmem:s1+$0x12A10]  }
0xc0: {  	v26 =	vld [tilespmem:s1+$0x12A20]  }
0xc1: {  	v27 =	vld [tilespmem:s1+$0x12A30]  }
0xc2: {  	v28 =	vld [tilespmem:s1+$0x12A80]  }
0xc3: {  	v29 =	vld [tilespmem:s1+$0x12A90]  }
0xc4: {  	v30 =	vld [tilespmem:s1+$0x12AA0]  }
0xc5: {  	v31 =	vld [tilespmem:s1+$0x12AB0]  }
0xc6: {  	v32 =	vld [tilespmem:s1+$0x12B00]  }
0xc7: {  	v33 =	vld [tilespmem:s1+$0x12B10]  }
0xc8: {  	v34 =	vld [tilespmem:s1+$0x12B20]  }
0xc9: {  	v35 =	vld [tilespmem:s1+$0x12B30];
	v8 =	vmul.f32 v8, v4  }
0xca: {  	v36 =	vld [tilespmem:s1+$0x12B80];
	v9 =	vmul.f32 v9, v5;
	v12 =	vmul.f32 v12, v4  }
0xcb: {  	v37 =	vld [tilespmem:s1+$0x12B90];
	v13 =	vmul.f32 v13, v5;
	v52 =	vmul.f32 v10, v6  }
0xcc: {  	v38 =	vld [tilespmem:s1+$0x12BA0];
	v53 =	vmul.f32 v11, v7;
	v54 =	vmul.f32 v14, v6  }
0xcd: {  	v39 =	vld [tilespmem:s1+$0x12BB0];
	v55 =	vmul.f32 v15, v7;
	v56 =	vmul.f32 v16, v4  }
0xce: {  	v40 =	vld [tilespmem:s1+$0x12C00];
	v57 =	vmul.f32 v17, v5;
	v58 =	vmul.f32 v20, v4  }
0xcf: {  	v41 =	vld [tilespmem:s1+$0x12C10];
	v59 =	vmul.f32 v21, v5;
	v60 =	vmul.f32 v18, v6  }
0xd0: {  	v46 =	vld [tilespmem:s1+$0x12D80];
	v61 =	vmul.f32 v22, v6;
	v62 =	vmul.f32 v24, v4  }
0xd1: {  	v48 =	vld [tilespmem:s1+$0x12D90];
	v63 =	vmul.f32 v25, v5;
	v28 =	vmul.f32 v28, v4  }
0xd2: {  	v51 =	vld [tilespmem:s1+$0x12DA0];
	v42 =	vmul.f32 v29, v5;
	v19 =	vmul.f32 v19, v7  }
0xd3: {  	v11 =	vld [tilespmem:s1+$0x12C20];
	v43 =	vmul.f32 v26, v6;
	v23 =	vmul.f32 v23, v7  }
0xd4: {  	v15 =	vld [tilespmem:s1+$0x12C30];
	v44 =	vmul.f32 v30, v6;
	v45 =	vmul.f32 v27, v7  }
0xd5: {  	v17 =	vld [tilespmem:s1+$0x12C80];
	v47 =	vmul.f32 v31, v7;
	v49 =	vmul.f32 v32, v4;
	v8 =	vadd.f32 v9, v8  }
0xd6: {  	v21 =	vld [tilespmem:s1+$0x12C90];
	v50 =	vmul.f32 v33, v5;
	v12 =	vadd.f32 v13, v12;
	v9 =	vadd.f32 v57, v56  }
0xd7: {  	v16 =	vld [tilespmem:s1+$0x12CA0];
	v13 =	vadd.f32 v59, v58;
	v10 =	vadd.f32 v63, v62;
	v56 =	vmul.f32 v35, v7  }
0xd8: {  	v22 =	vld [tilespmem:s1+$0x12D00];
	v14 =	vadd.f32 v42, v28;
	v58 =	vmul.f32 v38, v6;
	v59 =	vmul.f32 v39, v7  }
0xd9: {  	v25 =	vld [tilespmem:s1+$0x12D10];
	v62 =	vmul.f32 v41, v5;
	v8 =	vadd.f32 v52, v8;
	v12 =	vadd.f32 v54, v12  }
0xda: {  	v18 =	vld [tilespmem:s1+$0x12CB0];
	v13 =	vadd.f32 v61, v13;
	v52 =	vmul.f32 v36, v4;
	v61 =	vmul.f32 v40, v4  }
0xdb: {  	v26 =	vld [tilespmem:s1+$0x12D20];
	v14 =	vadd.f32 v44, v14;
	v44 =	vmul.f32 v46, v4;
	v17 =	vmul.f32 v17, v4  }
0xdc: {  	v28 =	vld [tilespmem:s1+$0x12D30];
	v9 =	vadd.f32 v60, v9;
	v21 =	vmul.f32 v21, v5;
	v11 =	vmul.f32 v11, v6  }
0xdd: {  	v57 =	vld [tilespmem:s1+$0x12E00];
	v10 =	vadd.f32 v43, v10;
	v16 =	vmul.f32 v16, v6;
	v22 =	vmul.f32 v22, v4  }
0xde: {  	v63 =	vld [tilespmem:s1+$0x12E20];
	v25 =	vmul.f32 v25, v5;
	v8 =	vadd.f32 v53, v8;
	v12 =	vadd.f32 v55, v12  }
0xdf: {  	v42 =	vld [tilespmem:s1+$0x12E90];
	v15 =	vmul.f32 v15, v7;
	v9 =	vadd.f32 v19, v9;
	v13 =	vadd.f32 v23, v13  }
0xe0: {  	v54 =	vld [tilespmem:s1+$0x12DB0];
	v18 =	vmul.f32 v18, v7;
	v10 =	vadd.f32 v45, v10;
	v14 =	vadd.f32 v47, v14  }
0xe1: {  	v40 =	vld [tilespmem:s1+$0x12E30];
	v53 =	vmul.f32 v37, v5;
	v19 =	vadd.f32 v50, v49;
	v55 =	vmul.f32 v34, v6  }
0xe2: {  	v43 =	vld [tilespmem:s1+$0x12EA0];
	v27 =	vadd.f32 v62, v61;
	v45 =	vmul.f32 v48, v5;
	v47 =	vmul.f32 v26, v6  }
0xe3: {  	v46 =	vld [tilespmem:s1+$0x12EB0];
	v49 =	vmul.f32 v51, v6;
	v17 =	vadd.f32 v21, v17;
	v22 =	vadd.f32 v25, v22  }
0xe4: {  	v35 =	vld [tilespmem:s1+$0x12FB0];
	v21 =	vmul.f32 v42, v5;
	v61 =	vmul.f32 v63, v6;
	v23 =	vadd.f32 v53, v52  }
0xe5: {  	v60 =	vld [tilespmem:s1+$0x12E10];
	v19 =	vadd.f32 v55, v19;
	v11 =	vadd.f32 v11, v27;
	v52 =	vmul.f32 v28, v7  }
0xe6: {  	v48 =	vld [tilespmem:s1+$0x12F00];
	v42 =	vsel vm0, v13, v9;
	v9 =	vsel vm0, v9, v13;
	v16 =	vadd.f32 v16, v17  }
0xe7: {  	v50 =	vld [tilespmem:s1+$0x12F10];
	v17 =	vadd.f32 v45, v44;
	v54 =	vmul.f32 v54, v7;
	v27 =	vmul.f32 v43, v6  }
0xe8: {  	v62 =	vld [tilespmem:s1+$0x12F30];
	v51 =	vadd.f32 v47, v22;
	v37 =	vmul.f32 v40, v7;
	v24 =	vmul.f32 v46, v7  }
0xe9: {  	v41 =	vld [tilespmem:s1+$0x12E80];
	v40 =	vmul.f32 v35, v7;
	v43 =	vsel vm0, v14, v10;
	v10 =	vsel vm0, v10, v14  }
0xea: {  	v53 =	vld [tilespmem:s1+$0x12F80];
	v23 =	vadd.f32 v58, v23;
	v19 =	vadd.f32 v56, v19;
	v56 =	vmul.f32 v57, v4  }
0xeb: {  	v55 =	vld [tilespmem:s1+$0x12F90];
	v11 =	vadd.f32 v15, v11;
	v57 =	vmul.f32 v60, v5;
	v44 =	vperm.xlane v43, v0  }
0xec: {  	v16 =	vadd.f32 v18, v16;
	v17 =	vadd.f32 v49, v17;
	v63 =	vmul.f32 v48, v4  }
0xed: {  	v15 =	vadd.f32 v52, v51;
	v34 =	vmul.f32 v50, v5;
	v39 =	vmul.f32 v62, v7  }
0xee: {  	v58 =	vld [tilespmem:s1+$0x12F20];
	v23 =	vadd.f32 v59, v23;
	v59 =	vmul.f32 v41, v4;
	v22 =	vadd.f32 v57, v56  }
0xef: {  	v60 =	vld [tilespmem:s1+$0x12FA0];
	v41 =	vsel vm0, v12, v8;
	v8 =	vsel vm0, v8, v12;
	v10 =	vadd.f32 v44, v10  }
0xf0: {  	v17 =	vadd.f32 v54, v17;
	v25 =	vmul.f32 v53, v4;
	v20 =	vmul.f32 v55, v5  }
0xf1: {  	v46 =	vsel vm0, v16, v11;
	v11 =	vsel vm0, v11, v16;
	v18 =	vadd.f32 v21, v59  }
0xf2: {  	v22 =	vadd.f32 v61, v22;
	v21 =	vadd.f32 v34, v63;
	v45 =	vsel vm0, v23, v19  }
0xf3: {  	v13 =	vperm.xlane v46, v0;
	v19 =	vsel vm0, v19, v23;
	v36 =	vmul.f32 v58, v6  }
0xf4: {  	v20 =	vadd.f32 v20, v25;
	v38 =	vmul.f32 v60, v6;
	v25 =	vperm.xlane v42, v0  }
0xf5: {  	v12 =	vperm.xlane v45, v0;
	v18 =	vadd.f32 v27, v18;
	v22 =	vadd.f32 v37, v22  }
0xf6: {  	v47 =	vsel vm0, v17, v15;
	v21 =	vadd.f32 v36, v21;
	v20 =	vadd.f32 v38, v20  }
0xf7: {  	v48 =	vsel vm0, v15, v17;
	v11 =	vadd.f32 v13, v11;
	v18 =	vadd.f32 v24, v18  }
0xf8: {  	v14 =	vperm.xlane v47, v0;
	v21 =	vadd.f32 v39, v21;
	v20 =	vadd.f32 v40, v20  }
0xf9: {  	v9 =	vadd.f32 v25, v9;
	v12 =	vadd.f32 v12, v19;
	v24 =	vperm.xlane v41, v0  }
0xfa: {  	v13 =	vadd.f32 v14, v48;
	v49 =	vsel vm0, v18, v22;
	v50 =	vsel vm0, v20, v21  }
0xfb: {  	v54 =	vsel vm1, v12, v10;
	v14 =	vperm.xlane v49, v0;
	v15 =	vperm.xlane v50, v0  }
0xfc: {  	v8 =	vadd.f32 v24, v8;
	v52 =	vsel vm0, v22, v18;
	v53 =	vsel vm0, v21, v20  }
0xfd: {  	v55 =	vsel vm1, v13, v11;
	v14 =	vadd.f32 v14, v52;
	v15 =	vadd.f32 v15, v53  }
0xfe: {  	v10 =	vsel vm1, v10, v12;
	v56 =	vperm.xlane v55, v1;
	v51 =	vsel vm1, v9, v8  }
0xff: {  	v8 =	vsel vm1, v8, v9;
	v9 =	vperm.xlane v54, v1;
	v17 =	vsel vm1, v15, v14  }
0x100: {  	v58 =	vsel vm1, v11, v13;
	v16 =	vperm.xlane v51, v1;
	v57 =	vperm.xlane v17, v1  }
0x101: {  	v9 =	vadd.f32 v9, v10;
	v10 =	vadd.f32 v56, v58;
	v59 =	vsel vm1, v14, v15  }
0x102: {  	v8 =	vadd.f32 v16, v8;
	v11 =	vadd.f32 v57, v59;
	_ =	sdelay $0x1  }
0x103: {  	v60 =	vsel vm2, v9, v8;
	v61 =	vsel vm2, v11, v10  }
0x104: {  	v12 =	vperm.xlane v60, v2;
	v13 =	vperm.xlane v61, v2  }
0x105: {  	v8 =	vsel vm2, v8, v9;
	v62 =	vsel vm2, v10, v11  }
0x106: {  	v8 =	vadd.f32 v12, v8;
	v9 =	vadd.f32 v13, v62;
	_ =	sdelay $0x1  }
0x107: {  	p0 =	sne.s32 s0, $0x18000;
	v63 =	vsel vm3, v9, v8  }
.Ltmp4:
0x108: {  	v10 =	vperm.xlane v63, v3;
	(pc) =	sbr.rel @p0 .LBB2_9-.Ltmp4, $4  }
0x109: {  	v8 =	vsel vm3, v8, v9  }
0x10a: {  	s10 =	sand.u32 $0x100, s31;
	s1 =	sand.u32 $0x70, s30;
	v8 =	vadd.f32 v8, v10  }
0x10b: {  	s1 =	sor.u32 s1, s10  }
0x10c: {  	s31 =	sadd.s32 $0x20, s31;
	s0 =	sadd.s32 $0x2000, s0;
	s30 =	sadd.s32 $0x10, s30;
	[tilespmem:s1+$0x19080] =	vst v8  }
0x10d: {  	s0 =	sshll.u32 s28, $0x4;
	s26 =	sadd.s32 $0x1, s26  }
0x10e: {  	s0 =	sand.u32 $0x70, s0;
	p0 =	sne.s32 s26, $0x40  }
.Ltmp5:
0x10f: {  	s0 =	sadd.s32 s5, s0;
	(pc) =	sbr.rel @p0 .LBB2_2-.Ltmp5, $4  }
0x110: {  	s0 =	sadd.s32 s29, s0  }
0x111: {  	[hbm4b:s0+s2] =	stream.linear.scatter [tilespmem:s22], [sflag:$0x4], $0x80, $0x38;
	[tilespmem:$0x19200] =	vst v63  }
0x112: {  	s0 =	sadd.s32 $0x80, s0  }
0x113: {  	[hbm4b:s0+s2] =	stream.linear.scatter [tilespmem:s23], [sflag:$0x4], $0x80, $0x38;
	[tilespmem:$0x19200] =	vst v63  }
0x114: {  	s25 =	sadd.s32 $0x1, s25  }
0x115: {  	_ =	swait.ge [sflag:s24], $0x100;
	p0 =	sne.s32 s25, s8  }
.Ltmp6:
0x116: {  	[sflag:s24] =	ssyncset.done $0x0;
	(pc) =	sbr.rel @p0 .LBB2_1-.Ltmp6, $4  }
0x117: {  	[sflag:s24] =	ssyncadd.s32 $0xFFFFFF00  }
0x118: {  	_ =	swait.ge [sflag:s21], $0x100  }
0x119: {  	[sflag:s21] =	ssyncset.done $0x0  }
0x11a: {  	[sflag:s21] =	ssyncadd.s32 $0xFFFFFF00  }
0x11b: {  	_ =	sfence.sel $0x180000  }
0x11c: {  	[bflag:$0x0] =	sbarrier.arrive $0xFFFF  }
0x11d: {  	_ =	strace $0x90000047  }
0x11e: {  	s0 =	stileid.u32;
	[bflag:$0x2] =	sbarrier.arrive $0xFFFF  }
0x11f: {  	p0 =	sne.s32 s0, $0x0;
	s0 =	rddreg [dreg:$0x2]  }
0x120: {  	s0 =	sadd.s32 @!p0 $0x100000, s0  }
0x121: {  	[sflag:s0] =	ssyncadd.tile.s32 @!p0 $0x1;
	_ =	shalt  }
.Lfunc_end2:
_tile_overlayer_lowered:
.L_overlay_start_2:
0x122: {  	(tag) =	ssettag $0x2  }
0x123: {  	s0 =	rddreg [dreg:$0x0];
	s2 =	stileid.u32  }
0x124: {  	s1 =	rddreg [dreg:$0x1];
	p0 =	sne.s32 s2, $0x0  }
0x125: {  	s3 =	rddreg [dreg:$0x2];
	[bflag:$0x3] =	sbarrier.arrive $0xFFFF;
	s2 =	simm.s32 @!p0 $0x1C05  }
0x126: {  	[timem:s3], [sflag:s2] =	dma.local @!p0 [hbm:s0], s1  }
0x127: {  	s0 =	simm.s32 @!p0 $0x5  }
0x128: {  	_ =	swait.ge @!p0 [sflag:s0], s1  }
0x129: {  	s1 =	ssub.s32 @!p0 $0x0, s1;
	[sflag:s0] =	ssyncset.done @!p0 $0x0  }
0x12a: {  	[sflag:s0] =	ssyncadd.s32 @!p0 s1  }
0x12b: {  	[bflag:$0x3] =	sbarrier.arrive $0xFFFF  }
0x12c: {  	_ =	shalt  }

</sc_bundles>
